<compile_context>
chip_gen: v7x
topology: tpu7x:2x2x1
jax: 0.10.2.dev20260603
libtpu: 0.0.44.dev20260713+nightly
codegen_flags: <defaults>
</compile_context>

<pallas_src>
import functools

import jax
import jax.numpy as jnp
from jax import lax
from jax.experimental import pallas as pl
from jax.experimental.pallas import tpu as pltpu
from jax.experimental.pallas import tpu_sc as plsc

_K = 9
_EPS = 1e-5

_SC_NC = 2
_SC_NS = 16
_SC_NW = _SC_NC * _SC_NS


def _dot_bf16(a, b):
    return lax.dot_general(a.astype(jnp.bfloat16), b.astype(jnp.bfloat16),
                           (((1,), (0,)), ((), ())),
                           preferred_element_type=jnp.float32)


def _r2(v):
    return v.reshape(1, -1)


def _conv_body(xp_ref, w_ref, b_ref, o_ref):
    o_ref[...] = _dot_bf16(xp_ref[...], w_ref[...]) + b_ref[...]


def _conv_mm(xp, wT, b):
    n = xp.shape[0]
    c = wT.shape[1]
    return pl.pallas_call(
        _conv_body, out_shape=jax.ShapeDtypeStruct((n, c), jnp.float32),
    )(xp, wT, _r2(b))


def _bnmm_body(x_ref, m_ref, s_ref, g_ref, be_ref, w_ref, b_ref,
               y_ref, o_ref):
    y = (x_ref[...] - m_ref[...]) / s_ref[...] * g_ref[...] + be_ref[...]
    y = jnp.maximum(y, 0.0)
    y_ref[...] = y
    o_ref[...] = _dot_bf16(y, w_ref[...]) + b_ref[...]


def _bnrelu_mm(x, m, s, g, be, wT, b):
    n = x.shape[0]
    c = wT.shape[1]
    return pl.pallas_call(
        _bnmm_body,
        out_shape=(jax.ShapeDtypeStruct(x.shape, jnp.float32),
                   jax.ShapeDtypeStruct((n, c), jnp.float32)),
    )(x, m, s, _r2(g), _r2(be), wT, _r2(b))


def _bn_body(x_ref, m_ref, s_ref, g_ref, be_ref, o_ref):
    o_ref[...] = (x_ref[...] - m_ref[...]) / s_ref[...] * g_ref[...] \
        + be_ref[...]


def _bn_norm(x, m, s, g, be):
    return pl.pallas_call(
        _bn_body, out_shape=jax.ShapeDtypeStruct(x.shape, jnp.float32),
    )(x, m, s, _r2(g), _r2(be))


def _knn_body(xt_ref, xtT_ref, sqc_ref, sqr_ref, idx_ref):
    xt_t = xt_ref[...]
    mm = _dot_bf16(xt_t, xtT_ref[...])
    d = (sqc_ref[...] + sqr_ref[...]) - 2.0 * mm
    r, n = d.shape
    col = lax.broadcasted_iota(jnp.int32, (r, n), 1)
    big = jnp.int32(2 ** 30)
    inf = jnp.float32(jnp.inf)
    cols = []
    for _ in range(_K):
        m = jnp.min(d, axis=1, keepdims=True)
        sel = jnp.min(jnp.where(d == m, col, big), axis=1, keepdims=True)
        cols.append(sel)
        d = jnp.where(col == sel, inf, d)
    idx_ref[...] = jnp.concatenate(cols, axis=1)


def _knn(xt, xtT, sq, rows):
    n, c = xt.shape
    return pl.pallas_call(
        _knn_body,
        grid=(n // rows,),
        in_specs=[pl.BlockSpec((rows, c), lambda i: (i, 0)),
                  pl.BlockSpec((c, n), lambda i: (0, 0)),
                  pl.BlockSpec((rows, 1), lambda i: (i, 0)),
                  pl.BlockSpec((1, n), lambda i: (0, 0))],
        out_specs=pl.BlockSpec((rows, _K), lambda i: (i, 0)),
        out_shape=jax.ShapeDtypeStruct((n, _K), jnp.int32),
    )(xt, xtT, sq.reshape(n, 1), sq.reshape(1, n))


def _make_sc_gather(v, d, b, chunk):
    b_per_w = b // _SC_NW
    nch = b_per_w // chunk
    mesh = plsc.VectorSubcoreMesh(core_axis_name="c", subcore_axis_name="s")

    @functools.partial(
        pl.kernel, mesh=mesh,
        out_type=jax.ShapeDtypeStruct((b, d), jnp.float32),
        scratch_types=[pltpu.VMEM((nch, chunk), jnp.int32),
                       pltpu.VMEM((b_per_w, d), jnp.float32),
                       pltpu.SemaphoreType.DMA],
        compiler_params=pltpu.CompilerParams(use_tc_tiling_on_sc=False),
    )
    def gather(table_hbm, idx_hbm, out_hbm, idx_v, rows_v, sem):
        wid = lax.axis_index("s") * _SC_NC + lax.axis_index("c")
        pltpu.sync_copy(idx_hbm.at[wid], idx_v)
        copies = []
        for j in range(nch):
            copies.append(pltpu.async_copy(
                table_hbm.at[idx_v.at[j]],
                rows_v.at[pl.ds(j * chunk, chunk)], sem))
        for cp in copies:
            cp.wait()
        pltpu.sync_copy(rows_v, out_hbm.at[pl.ds(wid * b_per_w, b_per_w)])

    return gather


def _gc_body(nbrs_ref, xt_ref, w_ref, b_ref, o_ref):
    xt = xt_ref[...]
    mxn = nbrs_ref[0]
    for k in range(1, _K):
        mxn = jnp.maximum(mxn, nbrs_ref[k])
    h = jnp.concatenate([xt, mxn - xt], axis=-1)
    o_ref[...] = _dot_bf16(h, w_ref[...]) + b_ref[...]


def _gc_mm(nbrs, xt, gwT, gb):
    n = xt.shape[0]
    c2 = gwT.shape[1]
    return pl.pallas_call(
        _gc_body, out_shape=jax.ShapeDtypeStruct((n, c2), jnp.float32),
    )(nbrs, xt, gwT, _r2(gb))


def _out_body(x_ref, m_ref, s_ref, g_ref, be_ref, y_ref, o_ref):
    r = (x_ref[...] - m_ref[...]) / s_ref[...] * g_ref[...] + be_ref[...]
    o_ref[...] = jnp.maximum(r + y_ref[...], 0.0)


def _bn_add_relu(x, m, s, g, be, y):
    return pl.pallas_call(
        _out_body, out_shape=jax.ShapeDtypeStruct(x.shape, jnp.float32),
    )(x, m, s, _r2(g), _r2(be), y)


def _bn5_stats(y0, spatial):
    c = y0.shape[1]
    y5 = y0.T.reshape((1, c) + spatial)
    m = jnp.mean(y5, axis=(0, 2, 3, 4), keepdims=True)
    v = jnp.var(y5, axis=(0, 2, 3, 4), keepdims=True)
    return m.reshape(1, c), jnp.sqrt(v + _EPS).reshape(1, c)


def _tok_stats(x):
    m = jnp.mean(x[None], axis=(0, 1), keepdims=True)
    v = jnp.var(x[None], axis=(0, 1), keepdims=True)
    return m[0], jnp.sqrt(v + _EPS)[0]


def _stage(xp, w0T, b0, g0, be0, p, pref, spatial, chunk):
    n = xp.shape[0]
    y0 = _conv_mm(xp, w0T, b0)
    m0, s0 = _bn5_stats(y0, spatial)
    y, xt0 = _bnrelu_mm(y0, m0, s0, g0, be0,
                        p[pref + '_fc1_w'].T, p[pref + '_fc1_b'])
    m1, s1 = _tok_stats(xt0)
    xt = _bn_norm(xt0, m1, s1, p[pref + '_fc1_g'], p[pref + '_fc1_be'])
    sq = jnp.sum(xt[None] * xt[None], axis=-1)[0]
    idx = _knn(xt, xt.T, sq, 256)
    flat = idx.T.reshape(_SC_NW, -1, chunk)
    nbrs = _make_sc_gather(n, xt.shape[1], n * _K, chunk)(xt, flat)
    nbrs = nbrs.reshape(_K, n, xt.shape[1])
    h0 = _gc_mm(nbrs, xt, p[pref + '_gc_w'].T, p[pref + '_gc_b'])
    m2, s2 = _tok_stats(h0)
    _, r0 = _bnrelu_mm(h0, m2, s2, p[pref + '_gc_g'], p[pref + '_gc_be'],
                       p[pref + '_fc2_w'].T, p[pref + '_fc2_b'])
    m3, s3 = _tok_stats(r0)
    return _bn_add_relu(r0, m3, s3, p[pref + '_fc2_g'], p[pref + '_fc2_be'], y)


def kernel(x, stem_w, stem_b, stem_g, stem_be,
           g1_fc1_w, g1_fc1_b, g1_fc1_g, g1_fc1_be,
           g1_gc_w, g1_gc_b, g1_gc_g, g1_gc_be,
           g1_fc2_w, g1_fc2_b, g1_fc2_g, g1_fc2_be,
           g2_fc1_w, g2_fc1_b, g2_fc1_g, g2_fc1_be,
           g2_gc_w, g2_gc_b, g2_gc_g, g2_gc_be,
           g2_fc2_w, g2_fc2_b, g2_fc2_g, g2_fc2_be,
           ds_w, ds_b, ds_g, ds_be):
    p = dict(
        g1_fc1_w=g1_fc1_w, g1_fc1_b=g1_fc1_b, g1_fc1_g=g1_fc1_g,
        g1_fc1_be=g1_fc1_be, g1_gc_w=g1_gc_w, g1_gc_b=g1_gc_b,
        g1_gc_g=g1_gc_g, g1_gc_be=g1_gc_be, g1_fc2_w=g1_fc2_w,
        g1_fc2_b=g1_fc2_b, g1_fc2_g=g1_fc2_g, g1_fc2_be=g1_fc2_be,
        g2_fc1_w=g2_fc1_w, g2_fc1_b=g2_fc1_b, g2_fc1_g=g2_fc1_g,
        g2_fc1_be=g2_fc1_be, g2_gc_w=g2_gc_w, g2_gc_b=g2_gc_b,
        g2_gc_g=g2_gc_g, g2_gc_be=g2_gc_be, g2_fc2_w=g2_fc2_w,
        g2_fc2_b=g2_fc2_b, g2_fc2_g=g2_fc2_g, g2_fc2_be=g2_fc2_be,
    )

    xs = x.reshape(16, 4, 16, 4, 16, 4).transpose(0, 2, 4, 1, 3, 5)
    xp1 = xs.reshape(4096, 64)
    w0T = stem_w.reshape(48, 64).T

    f1 = _stage(xp1, w0T, stem_b, stem_g, stem_be, p, 'g1',
                (16, 16, 16), 128)

    fs = f1.reshape(8, 2, 8, 2, 8, 2, 48).transpose(0, 2, 4, 1, 3, 5, 6)
    xp2 = fs.reshape(512, 384)
    dsT = ds_w.transpose(2, 3, 4, 1, 0).reshape(384, 96)

    f2 = _stage(xp2, dsT, ds_b, ds_g, ds_be, p, 'g2', (8, 8, 8), 72)

    f1_out = f1.T.reshape(1, 48, 16, 16, 16)
    f2_out = f2.T.reshape(1, 96, 8, 8, 8)
    return (f1_out, f2_out)

# --- scband reference (transcript-rebuilt; emitter-appended) ---
"""Pipeline reference for scband-vi-g3-dencoder-68710886801881 (READ-ONLY COPY).

The authoritative reference and input builder live on the scoring server;
editing this copy changes nothing except your own understanding.
"""

import jax, jax.numpy as jnp
import numpy as np

K = 9

def _bn5(x, g, b, eps=1e-5):
    m = jnp.mean(x, axis=(0, 2, 3, 4), keepdims=True)
    v = jnp.var(x, axis=(0, 2, 3, 4), keepdims=True)
    return (x - m) / jnp.sqrt(v + eps) * g.reshape(1, -1, 1, 1, 1) + b.reshape(1, -1, 1, 1, 1)

def _bn_tok(x, g, b, eps=1e-5):
    m = jnp.mean(x, axis=(0, 1), keepdims=True)
    v = jnp.var(x, axis=(0, 1), keepdims=True)
    return (x - m) / jnp.sqrt(v + eps) * g + b

def _conv3d(x, w, b, stride):
    y = jax.lax.conv_general_dilated(x, w, (stride, stride, stride), 'VALID', dimension_numbers=('NCDHW', 'OIDHW', 'NCDHW'))
    return y + b.reshape(1, -1, 1, 1, 1)

def _grapher(x5, p, pref):
    B, C, D, H, W = x5.shape
    N = D * H * W
    shortcut = x5
    xt = jnp.transpose(x5.reshape(B, C, N), (0, 2, 1))
    xt = xt @ p[pref + '_fc1_w'].T + p[pref + '_fc1_b']
    xt = _bn_tok(xt, p[pref + '_fc1_g'], p[pref + '_fc1_be'])
    sq = jnp.sum(xt * xt, axis=-1)
    dist = sq[:, :, None] + sq[:, None, :] - 2.0 * jnp.einsum('bnc,bmc->bnm', xt, xt)
    _, idx = jax.lax.top_k(-dist, K)
    nbrs = jax.vmap(lambda t, i: t[i])(xt, idx)
    mx = jnp.max(nbrs - xt[:, :, None, :], axis=2)
    h = jnp.concatenate([xt, mx], axis=-1)
    h = h @ p[pref + '_gc_w'].T + p[pref + '_gc_b']
    h = jax.nn.relu(_bn_tok(h, p[pref + '_gc_g'], p[pref + '_gc_be']))
    h = h @ p[pref + '_fc2_w'].T + p[pref + '_fc2_b']
    h = _bn_tok(h, p[pref + '_fc2_g'], p[pref + '_fc2_be'])
    out = jnp.transpose(h, (0, 2, 1)).reshape(B, C, D, H, W)
    return out + shortcut

def _forward(x, p):
    x = jax.nn.relu(_bn5(_conv3d(x, p['stem_w'], p['stem_b'], 4), p['stem_g'], p['stem_be']))
    f1 = jax.nn.relu(_grapher(x, p, 'g1'))
    x = jax.nn.relu(_bn5(_conv3d(f1, p['ds_w'], p['ds_b'], 2), p['ds_g'], p['ds_be']))
    f2 = jax.nn.relu(_grapher(x, p, 'g2'))
    return (f1, f2)

def setup_inputs(seed: int = 0):
    key = jax.random.key(seed)
    ks = jax.random.split(key, 16)
    C1, C2 = 48, 96
    inp = {}
    inp['x'] = jax.random.normal(ks[0], (1, 1, 64, 64, 64), dtype=jnp.float32)
    inp['stem_w'] = jax.random.normal(ks[1], (C1, 1, 4, 4, 4), dtype=jnp.float32) * 0.1
    inp['stem_b'] = jnp.zeros((C1,), jnp.float32)
    inp['stem_g'] = jnp.ones((C1,), jnp.float32)
    inp['stem_be'] = jnp.zeros((C1,), jnp.float32)
    i = 2
    for pref, C in (('g1', C1), ('g2', C2)):
        inp[pref + '_fc1_w'] = jax.random.normal(ks[i], (C, C), dtype=jnp.float32) / np.sqrt(C); i += 1
        inp[pref + '_fc1_b'] = jnp.zeros((C,), jnp.float32)
        inp[pref + '_fc1_g'] = jnp.ones((C,), jnp.float32)
        inp[pref + '_fc1_be'] = jnp.zeros((C,), jnp.float32)
        inp[pref + '_gc_w'] = jax.random.normal(ks[i], (2 * C, 2 * C), dtype=jnp.float32) / np.sqrt(2 * C); i += 1
        inp[pref + '_gc_b'] = jnp.zeros((2 * C,), jnp.float32)
        inp[pref + '_gc_g'] = jnp.ones((2 * C,), jnp.float32)
        inp[pref + '_gc_be'] = jnp.zeros((2 * C,), jnp.float32)
        inp[pref + '_fc2_w'] = jax.random.normal(ks[i], (C, 2 * C), dtype=jnp.float32) / np.sqrt(2 * C); i += 1
        inp[pref + '_fc2_b'] = jnp.zeros((C,), jnp.float32)
        inp[pref + '_fc2_g'] = jnp.ones((C,), jnp.float32)
        inp[pref + '_fc2_be'] = jnp.zeros((C,), jnp.float32)
    inp['ds_w'] = jax.random.normal(ks[i], (C2, C1, 2, 2, 2), dtype=jnp.float32) * 0.1
    inp['ds_b'] = jnp.zeros((C2,), jnp.float32)
    inp['ds_g'] = jnp.ones((C2,), jnp.float32)
    inp['ds_be'] = jnp.zeros((C2,), jnp.float32)
    return inp

def reference(x, stem_w, stem_b, stem_g, stem_be,
              g1_fc1_w, g1_fc1_b, g1_fc1_g, g1_fc1_be,
              g1_gc_w, g1_gc_b, g1_gc_g, g1_gc_be,
              g1_fc2_w, g1_fc2_b, g1_fc2_g, g1_fc2_be,
              g2_fc1_w, g2_fc1_b, g2_fc1_g, g2_fc1_be,
              g2_gc_w, g2_gc_b, g2_gc_g, g2_gc_be,
              g2_fc2_w, g2_fc2_b, g2_fc2_g, g2_fc2_be,
              ds_w, ds_b, ds_g, ds_be):
    p = {k: v for k, v in locals().items() if k != 'x'}
    return _forward(x, p)

if __name__ == "__main__":
    import jax
    _d = setup_inputs()
    print(jax.jit(kernel)(*tuple(_d.values())))

</pallas_src>

<mosaic_0001>
#map = affine_map<(d0, d1) -> (0, 0)>
#map1 = affine_map<(d0, d1) -> (0, 0, 0)>
module attributes {stable_mosaic.version = 14 : i64} {
  func.func @gather(%arg0: i32, %arg1: i32, %arg2: memref<512x96xf32, #tpu.memory_space<hbm>>, %arg3: memref<32x2x72xi32, #tpu.memory_space<hbm>>, %arg4: memref<4608x96xf32, #tpu.memory_space<hbm>>, %arg5: memref<2x72xi32, #tpu.memory_space<vmem>>, %arg6: memref<144x96xf32, #tpu.memory_space<vmem>>, %arg7: memref<!tpu.dma_semaphore, #tpu.memory_space<semaphore_mem>>) attributes {dimension_semantics = [#tpu.dimension_semantics<core_parallel>, #tpu.dimension_semantics<subcore_parallel>], iteration_bounds = array<i64: 2, 16>, scalar_prefetch = 0 : i64, scratch_operands = 3 : i64, tpu.core_type = #tpu.core_type<sc_vector_subcore>, window_params = [{transform_indices = #map}, {transform_indices = #map1}, {transform_indices = #map}]} {
    %mul3A = arith.constant 2 : i32
    %mul3A_0 = arith.muli %arg1, %mul3A : i32
    %add3A = arith.addi %mul3A_0, %arg0 : i32
    "tpu.region"() ({
      %run_scoped3A = tpu.sem_alloc : memref<!tpu.dma_semaphore, #tpu.memory_space<semaphore_mem>>
      %dma_start3A_41 = arith.constant 0 : i32
      %dma_start3A_42 = arith.constant 0 : i32
      %dma_start3A_43 = tpu.memref_slice %arg3[%add3A, %dma_start3A_41, %dma_start3A_42] : memref<32x2x72xi32, #tpu.memory_space<hbm>> -> memref<1x2x72xi32, #tpu.memory_space<hbm>>
      %dma_start3A_44 = tpu.memref_squeeze %dma_start3A_43 : memref<1x2x72xi32, #tpu.memory_space<hbm>> -> memref<2x72xi32, #tpu.memory_space<hbm>>
      %dma_start3A_45 = arith.constant 0 : i32
      %dma_start3A_46 = arith.constant 0 : i32
      %dma_start3A_47 = tpu.memref_slice %arg3[%add3A, %dma_start3A_45, %dma_start3A_46] : memref<32x2x72xi32, #tpu.memory_space<hbm>> -> memref<1x2x72xi32, #tpu.memory_space<hbm>>
      %dma_start3A_48 = tpu.memref_squeeze %dma_start3A_47 : memref<1x2x72xi32, #tpu.memory_space<hbm>> -> memref<2x72xi32, #tpu.memory_space<hbm>>
      tpu.enqueue_dma source(%dma_start3A_48 : memref<2x72xi32, #tpu.memory_space<hbm>>) target(%arg5 : memref<2x72xi32, #tpu.memory_space<vmem>>) target_semaphore(%run_scoped3A : memref<!tpu.dma_semaphore, #tpu.memory_space<semaphore_mem>>)
      %dma_wait3A_49 = arith.constant 0 : i32
      %dma_wait3A_50 = arith.constant 0 : i32
      %dma_wait3A_51 = tpu.memref_slice %arg3[%add3A, %dma_wait3A_49, %dma_wait3A_50] : memref<32x2x72xi32, #tpu.memory_space<hbm>> -> memref<1x2x72xi32, #tpu.memory_space<hbm>>
      %dma_wait3A_52 = tpu.memref_squeeze %dma_wait3A_51 : memref<1x2x72xi32, #tpu.memory_space<hbm>> -> memref<2x72xi32, #tpu.memory_space<hbm>>
      %dma_wait3A_53 = arith.constant 0 : i32
      %dma_wait3A_54 = arith.constant 0 : i32
      %dma_wait3A_55 = tpu.memref_slice %arg3[%add3A, %dma_wait3A_53, %dma_wait3A_54] : memref<32x2x72xi32, #tpu.memory_space<hbm>> -> memref<1x2x72xi32, #tpu.memory_space<hbm>>
      %dma_wait3A_56 = tpu.memref_squeeze %dma_wait3A_55 : memref<1x2x72xi32, #tpu.memory_space<hbm>> -> memref<2x72xi32, #tpu.memory_space<hbm>>
      tpu.wait_dma2 semaphore(%run_scoped3A : memref<!tpu.dma_semaphore, #tpu.memory_space<semaphore_mem>>) src(%dma_wait3A_56 : memref<2x72xi32, #tpu.memory_space<hbm>>) dst(%arg5 : memref<2x72xi32, #tpu.memory_space<vmem>>)
      tpu.yield
    }) : () -> ()
    %dma_start3A = arith.constant 0 : i32
    %dma_start3A_1 = arith.constant 0 : i32
    %dma_start3A_2 = arith.constant 0 : i32
    %dma_start3A_3 = tpu.memref_slice %arg6[%dma_start3A_1, %dma_start3A_2] : memref<144x96xf32, #tpu.memory_space<vmem>> -> memref<72x96xf32, #tpu.memory_space<vmem>>
    %dma_start3A_4 = arith.constant 0 : i32
    %dma_start3A_5 = tpu.memref_slice %arg5[%dma_start3A, %dma_start3A_4] : memref<2x72xi32, #tpu.memory_space<vmem>> -> memref<1x72xi32, #tpu.memory_space<vmem>>
    %dma_start3A_6 = tpu.memref_squeeze %dma_start3A_5 : memref<1x72xi32, #tpu.memory_space<vmem>> -> memref<72xi32, #tpu.memory_space<vmem>>
    %dma_start3A_7 = arith.constant 0 : i32
    %dma_start3A_8 = arith.constant 0 : i32
    %dma_start3A_9 = tpu.memref_slice %arg2[%dma_start3A_7, %dma_start3A_8] : memref<512x96xf32, #tpu.memory_space<hbm>> -> memref<512x96xf32, #tpu.memory_space<hbm>>
    tpu.enqueue_indirect_dma source(%dma_start3A_9 : memref<512x96xf32, #tpu.memory_space<hbm>>) target(%dma_start3A_3 : memref<72x96xf32, #tpu.memory_space<vmem>>) offsets(%dma_start3A_6 : memref<72xi32, #tpu.memory_space<vmem>>) semaphore(%arg7 : memref<!tpu.dma_semaphore, #tpu.memory_space<semaphore_mem>>)
    %dma_start3A_10 = arith.constant 1 : i32
    %dma_start3A_11 = arith.constant 72 : i32
    %dma_start3A_12 = arith.constant 0 : i32
    %dma_start3A_13 = tpu.memref_slice %arg6[%dma_start3A_11, %dma_start3A_12] : memref<144x96xf32, #tpu.memory_space<vmem>> -> memref<72x96xf32, #tpu.memory_space<vmem>>
    %dma_start3A_14 = arith.constant 0 : i32
    %dma_start3A_15 = tpu.memref_slice %arg5[%dma_start3A_10, %dma_start3A_14] : memref<2x72xi32, #tpu.memory_space<vmem>> -> memref<1x72xi32, #tpu.memory_space<vmem>>
    %dma_start3A_16 = tpu.memref_squeeze %dma_start3A_15 : memref<1x72xi32, #tpu.memory_space<vmem>> -> memref<72xi32, #tpu.memory_space<vmem>>
    %dma_start3A_17 = arith.constant 0 : i32
    %dma_start3A_18 = arith.constant 0 : i32
    %dma_start3A_19 = tpu.memref_slice %arg2[%dma_start3A_17, %dma_start3A_18] : memref<512x96xf32, #tpu.memory_space<hbm>> -> memref<512x96xf32, #tpu.memory_space<hbm>>
    tpu.enqueue_indirect_dma source(%dma_start3A_19 : memref<512x96xf32, #tpu.memory_space<hbm>>) target(%dma_start3A_13 : memref<72x96xf32, #tpu.memory_space<vmem>>) offsets(%dma_start3A_16 : memref<72xi32, #tpu.memory_space<vmem>>) semaphore(%arg7 : memref<!tpu.dma_semaphore, #tpu.memory_space<semaphore_mem>>)
    %dma_wait3A = arith.constant 0 : i32
    %dma_wait3A_20 = arith.constant 0 : i32
    %dma_wait3A_21 = arith.constant 0 : i32
    %dma_wait3A_22 = tpu.memref_slice %arg6[%dma_wait3A_20, %dma_wait3A_21] : memref<144x96xf32, #tpu.memory_space<vmem>> -> memref<72x96xf32, #tpu.memory_space<vmem>>
    %dma_wait3A_23 = arith.constant 0 : i32
    %dma_wait3A_24 = tpu.memref_slice %arg5[%dma_wait3A, %dma_wait3A_23] : memref<2x72xi32, #tpu.memory_space<vmem>> -> memref<1x72xi32, #tpu.memory_space<vmem>>
    %dma_wait3A_25 = tpu.memref_squeeze %dma_wait3A_24 : memref<1x72xi32, #tpu.memory_space<vmem>> -> memref<72xi32, #tpu.memory_space<vmem>>
    %dma_wait3A_26 = arith.constant 0 : i32
    %dma_wait3A_27 = arith.constant 0 : i32
    %dma_wait3A_28 = tpu.memref_slice %arg2[%dma_wait3A_26, %dma_wait3A_27] : memref<512x96xf32, #tpu.memory_space<hbm>> -> memref<512x96xf32, #tpu.memory_space<hbm>>
    tpu.wait_indirect_dma semaphore(%arg7 : memref<!tpu.dma_semaphore, #tpu.memory_space<semaphore_mem>>) src(%dma_wait3A_28 : memref<512x96xf32, #tpu.memory_space<hbm>>) dst(%dma_wait3A_22 : memref<72x96xf32, #tpu.memory_space<vmem>>)
    %dma_wait3A_29 = arith.constant 1 : i32
    %dma_wait3A_30 = arith.constant 72 : i32
    %dma_wait3A_31 = arith.constant 0 : i32
    %dma_wait3A_32 = tpu.memref_slice %arg6[%dma_wait3A_30, %dma_wait3A_31] : memref<144x96xf32, #tpu.memory_space<vmem>> -> memref<72x96xf32, #tpu.memory_space<vmem>>
    %dma_wait3A_33 = arith.constant 0 : i32
    %dma_wait3A_34 = tpu.memref_slice %arg5[%dma_wait3A_29, %dma_wait3A_33] : memref<2x72xi32, #tpu.memory_space<vmem>> -> memref<1x72xi32, #tpu.memory_space<vmem>>
    %dma_wait3A_35 = tpu.memref_squeeze %dma_wait3A_34 : memref<1x72xi32, #tpu.memory_space<vmem>> -> memref<72xi32, #tpu.memory_space<vmem>>
    %dma_wait3A_36 = arith.constant 0 : i32
    %dma_wait3A_37 = arith.constant 0 : i32
    %dma_wait3A_38 = tpu.memref_slice %arg2[%dma_wait3A_36, %dma_wait3A_37] : memref<512x96xf32, #tpu.memory_space<hbm>> -> memref<512x96xf32, #tpu.memory_space<hbm>>
    tpu.wait_indirect_dma semaphore(%arg7 : memref<!tpu.dma_semaphore, #tpu.memory_space<semaphore_mem>>) src(%dma_wait3A_38 : memref<512x96xf32, #tpu.memory_space<hbm>>) dst(%dma_wait3A_32 : memref<72x96xf32, #tpu.memory_space<vmem>>)
    %mul3A_39 = arith.constant 144 : i32
    %mul3A_40 = arith.muli %add3A, %mul3A_39 : i32
    "tpu.region"() ({
      %run_scoped3A = tpu.sem_alloc : memref<!tpu.dma_semaphore, #tpu.memory_space<semaphore_mem>>
      %dma_start3A_41 = arith.constant 0 : i32
      %dma_start3A_42 = tpu.memref_slice %arg4[%mul3A_40, %dma_start3A_41] : memref<4608x96xf32, #tpu.memory_space<hbm>> -> memref<144x96xf32, #tpu.memory_space<hbm>>
      %dma_start3A_43 = arith.constant 0 : i32
      %dma_start3A_44 = tpu.memref_slice %arg4[%mul3A_40, %dma_start3A_43] : memref<4608x96xf32, #tpu.memory_space<hbm>> -> memref<144x96xf32, #tpu.memory_space<hbm>>
      tpu.enqueue_dma source(%arg6 : memref<144x96xf32, #tpu.memory_space<vmem>>) target(%dma_start3A_44 : memref<144x96xf32, #tpu.memory_space<hbm>>) target_semaphore(%run_scoped3A : memref<!tpu.dma_semaphore, #tpu.memory_space<semaphore_mem>>)
      %dma_wait3A_45 = arith.constant 0 : i32
      %dma_wait3A_46 = tpu.memref_slice %arg4[%mul3A_40, %dma_wait3A_45] : memref<4608x96xf32, #tpu.memory_space<hbm>> -> memref<144x96xf32, #tpu.memory_space<hbm>>
      %dma_wait3A_47 = arith.constant 0 : i32
      %dma_wait3A_48 = tpu.memref_slice %arg4[%mul3A_40, %dma_wait3A_47] : memref<4608x96xf32, #tpu.memory_space<hbm>> -> memref<144x96xf32, #tpu.memory_space<hbm>>
      tpu.wait_dma2 semaphore(%run_scoped3A : memref<!tpu.dma_semaphore, #tpu.memory_space<semaphore_mem>>) src(%arg6 : memref<144x96xf32, #tpu.memory_space<vmem>>) dst(%dma_wait3A_48 : memref<144x96xf32, #tpu.memory_space<hbm>>)
      tpu.yield
    }) : () -> ()
    return
  }
}

#map = affine_map<(d0, d1) -> (0, 0)>
#map1 = affine_map<(d0, d1) -> (0, 0, 0)>
module attributes {stable_mosaic.version = 14 : i64} {
  func.func @gather(%arg0: i32, %arg1: i32, %arg2: memref<4096x48xf32, #tpu.memory_space<hbm>>, %arg3: memref<32x9x128xi32, #tpu.memory_space<hbm>>, %arg4: memref<36864x48xf32, #tpu.memory_space<hbm>>, %arg5: memref<9x128xi32, #tpu.memory_space<vmem>>, %arg6: memref<1152x48xf32, #tpu.memory_space<vmem>>, %arg7: memref<!tpu.dma_semaphore, #tpu.memory_space<semaphore_mem>>) attributes {dimension_semantics = [#tpu.dimension_semantics<core_parallel>, #tpu.dimension_semantics<subcore_parallel>], iteration_bounds = array<i64: 2, 16>, scalar_prefetch = 0 : i64, scratch_operands = 3 : i64, tpu.core_type = #tpu.core_type<sc_vector_subcore>, window_params = [{transform_indices = #map}, {transform_indices = #map1}, {transform_indices = #map}]} {
    %mul3A = arith.constant 2 : i32
    %mul3A_0 = arith.muli %arg1, %mul3A : i32
    %add3A = arith.addi %mul3A_0, %arg0 : i32
    "tpu.region"() ({
      %run_scoped3A = tpu.sem_alloc : memref<!tpu.dma_semaphore, #tpu.memory_space<semaphore_mem>>
      %dma_start3A_181 = arith.constant 0 : i32
      %dma_start3A_182 = arith.constant 0 : i32
      %dma_start3A_183 = tpu.memref_slice %arg3[%add3A, %dma_start3A_181, %dma_start3A_182] : memref<32x9x128xi32, #tpu.memory_space<hbm>> -> memref<1x9x128xi32, #tpu.memory_space<hbm>>
      %dma_start3A_184 = tpu.memref_squeeze %dma_start3A_183 : memref<1x9x128xi32, #tpu.memory_space<hbm>> -> memref<9x128xi32, #tpu.memory_space<hbm>>
      %dma_start3A_185 = arith.constant 0 : i32
      %dma_start3A_186 = arith.constant 0 : i32
      %dma_start3A_187 = tpu.memref_slice %arg3[%add3A, %dma_start3A_185, %dma_start3A_186] : memref<32x9x128xi32, #tpu.memory_space<hbm>> -> memref<1x9x128xi32, #tpu.memory_space<hbm>>
      %dma_start3A_188 = tpu.memref_squeeze %dma_start3A_187 : memref<1x9x128xi32, #tpu.memory_space<hbm>> -> memref<9x128xi32, #tpu.memory_space<hbm>>
      tpu.enqueue_dma source(%dma_start3A_188 : memref<9x128xi32, #tpu.memory_space<hbm>>) target(%arg5 : memref<9x128xi32, #tpu.memory_space<vmem>>) target_semaphore(%run_scoped3A : memref<!tpu.dma_semaphore, #tpu.memory_space<semaphore_mem>>)
      %dma_wait3A_189 = arith.constant 0 : i32
      %dma_wait3A_190 = arith.constant 0 : i32
      %dma_wait3A_191 = tpu.memref_slice %arg3[%add3A, %dma_wait3A_189, %dma_wait3A_190] : memref<32x9x128xi32, #tpu.memory_space<hbm>> -> memref<1x9x128xi32, #tpu.memory_space<hbm>>
      %dma_wait3A_192 = tpu.memref_squeeze %dma_wait3A_191 : memref<1x9x128xi32, #tpu.memory_space<hbm>> -> memref<9x128xi32, #tpu.memory_space<hbm>>
      %dma_wait3A_193 = arith.constant 0 : i32
      %dma_wait3A_194 = arith.constant 0 : i32
      %dma_wait3A_195 = tpu.memref_slice %arg3[%add3A, %dma_wait3A_193, %dma_wait3A_194] : memref<32x9x128xi32, #tpu.memory_space<hbm>> -> memref<1x9x128xi32, #tpu.memory_space<hbm>>
      %dma_wait3A_196 = tpu.memref_squeeze %dma_wait3A_195 : memref<1x9x128xi32, #tpu.memory_space<hbm>> -> memref<9x128xi32, #tpu.memory_space<hbm>>
      tpu.wait_dma2 semaphore(%run_scoped3A : memref<!tpu.dma_semaphore, #tpu.memory_space<semaphore_mem>>) src(%dma_wait3A_196 : memref<9x128xi32, #tpu.memory_space<hbm>>) dst(%arg5 : memref<9x128xi32, #tpu.memory_space<vmem>>)
      tpu.yield
    }) : () -> ()
    %dma_start3A = arith.constant 0 : i32
    %dma_start3A_1 = arith.constant 0 : i32
    %dma_start3A_2 = arith.constant 0 : i32
    %dma_start3A_3 = tpu.memref_slice %arg6[%dma_start3A_1, %dma_start3A_2] : memref<1152x48xf32, #tpu.memory_space<vmem>> -> memref<128x48xf32, #tpu.memory_space<vmem>>
    %dma_start3A_4 = arith.constant 0 : i32
    %dma_start3A_5 = tpu.memref_slice %arg5[%dma_start3A, %dma_start3A_4] : memref<9x128xi32, #tpu.memory_space<vmem>> -> memref<1x128xi32, #tpu.memory_space<vmem>>
    %dma_start3A_6 = tpu.memref_squeeze %dma_start3A_5 : memref<1x128xi32, #tpu.memory_space<vmem>> -> memref<128xi32, #tpu.memory_space<vmem>>
    %dma_start3A_7 = arith.constant 0 : i32
    %dma_start3A_8 = arith.constant 0 : i32
    %dma_start3A_9 = tpu.memref_slice %arg2[%dma_start3A_7, %dma_start3A_8] : memref<4096x48xf32, #tpu.memory_space<hbm>> -> memref<4096x48xf32, #tpu.memory_space<hbm>>
    tpu.enqueue_indirect_dma source(%dma_start3A_9 : memref<4096x48xf32, #tpu.memory_space<hbm>>) target(%dma_start3A_3 : memref<128x48xf32, #tpu.memory_space<vmem>>) offsets(%dma_start3A_6 : memref<128xi32, #tpu.memory_space<vmem>>) semaphore(%arg7 : memref<!tpu.dma_semaphore, #tpu.memory_space<semaphore_mem>>)
    %dma_start3A_10 = arith.constant 1 : i32
    %dma_start3A_11 = arith.constant 128 : i32
    %dma_start3A_12 = arith.constant 0 : i32
    %dma_start3A_13 = tpu.memref_slice %arg6[%dma_start3A_11, %dma_start3A_12] : memref<1152x48xf32, #tpu.memory_space<vmem>> -> memref<128x48xf32, #tpu.memory_space<vmem>>
    %dma_start3A_14 = arith.constant 0 : i32
    %dma_start3A_15 = tpu.memref_slice %arg5[%dma_start3A_10, %dma_start3A_14] : memref<9x128xi32, #tpu.memory_space<vmem>> -> memref<1x128xi32, #tpu.memory_space<vmem>>
    %dma_start3A_16 = tpu.memref_squeeze %dma_start3A_15 : memref<1x128xi32, #tpu.memory_space<vmem>> -> memref<128xi32, #tpu.memory_space<vmem>>
    %dma_start3A_17 = arith.constant 0 : i32
    %dma_start3A_18 = arith.constant 0 : i32
    %dma_start3A_19 = tpu.memref_slice %arg2[%dma_start3A_17, %dma_start3A_18] : memref<4096x48xf32, #tpu.memory_space<hbm>> -> memref<4096x48xf32, #tpu.memory_space<hbm>>
    tpu.enqueue_indirect_dma source(%dma_start3A_19 : memref<4096x48xf32, #tpu.memory_space<hbm>>) target(%dma_start3A_13 : memref<128x48xf32, #tpu.memory_space<vmem>>) offsets(%dma_start3A_16 : memref<128xi32, #tpu.memory_space<vmem>>) semaphore(%arg7 : memref<!tpu.dma_semaphore, #tpu.memory_space<semaphore_mem>>)
    %dma_start3A_20 = arith.constant 2 : i32
    %dma_start3A_21 = arith.constant 256 : i32
    %dma_start3A_22 = arith.constant 0 : i32
    %dma_start3A_23 = tpu.memref_slice %arg6[%dma_start3A_21, %dma_start3A_22] : memref<1152x48xf32, #tpu.memory_space<vmem>> -> memref<128x48xf32, #tpu.memory_space<vmem>>
    %dma_start3A_24 = arith.constant 0 : i32
    %dma_start3A_25 = tpu.memref_slice %arg5[%dma_start3A_20, %dma_start3A_24] : memref<9x128xi32, #tpu.memory_space<vmem>> -> memref<1x128xi32, #tpu.memory_space<vmem>>
    %dma_start3A_26 = tpu.memref_squeeze %dma_start3A_25 : memref<1x128xi32, #tpu.memory_space<vmem>> -> memref<128xi32, #tpu.memory_space<vmem>>
    %dma_start3A_27 = arith.constant 0 : i32
    %dma_start3A_28 = arith.constant 0 : i32
    %dma_start3A_29 = tpu.memref_slice %arg2[%dma_start3A_27, %dma_start3A_28] : memref<4096x48xf32, #tpu.memory_space<hbm>> -> memref<4096x48xf32, #tpu.memory_space<hbm>>
    tpu.enqueue_indirect_dma source(%dma_start3A_29 : memref<4096x48xf32, #tpu.memory_space<hbm>>) target(%dma_start3A_23 : memref<128x48xf32, #tpu.memory_space<vmem>>) offsets(%dma_start3A_26 : memref<128xi32, #tpu.memory_space<vmem>>) semaphore(%arg7 : memref<!tpu.dma_semaphore, #tpu.memory_space<semaphore_mem>>)
    %dma_start3A_30 = arith.constant 3 : i32
    %dma_start3A_31 = arith.constant 384 : i32
    %dma_start3A_32 = arith.constant 0 : i32
    %dma_start3A_33 = tpu.memref_slice %arg6[%dma_start3A_31, %dma_start3A_32] : memref<1152x48xf32, #tpu.memory_space<vmem>> -> memref<128x48xf32, #tpu.memory_space<vmem>>
    %dma_start3A_34 = arith.constant 0 : i32
    %dma_start3A_35 = tpu.memref_slice %arg5[%dma_start3A_30, %dma_start3A_34] : memref<9x128xi32, #tpu.memory_space<vmem>> -> memref<1x128xi32, #tpu.memory_space<vmem>>
    %dma_start3A_36 = tpu.memref_squeeze %dma_start3A_35 : memref<1x128xi32, #tpu.memory_space<vmem>> -> memref<128xi32, #tpu.memory_space<vmem>>
    %dma_start3A_37 = arith.constant 0 : i32
    %dma_start3A_38 = arith.constant 0 : i32
    %dma_start3A_39 = tpu.memref_slice %arg2[%dma_start3A_37, %dma_start3A_38] : memref<4096x48xf32, #tpu.memory_space<hbm>> -> memref<4096x48xf32, #tpu.memory_space<hbm>>
    tpu.enqueue_indirect_dma source(%dma_start3A_39 : memref<4096x48xf32, #tpu.memory_space<hbm>>) target(%dma_start3A_33 : memref<128x48xf32, #tpu.memory_space<vmem>>) offsets(%dma_start3A_36 : memref<128xi32, #tpu.memory_space<vmem>>) semaphore(%arg7 : memref<!tpu.dma_semaphore, #tpu.memory_space<semaphore_mem>>)
    %dma_start3A_40 = arith.constant 4 : i32
    %dma_start3A_41 = arith.constant 512 : i32
    %dma_start3A_42 = arith.constant 0 : i32
    %dma_start3A_43 = tpu.memref_slice %arg6[%dma_start3A_41, %dma_start3A_42] : memref<1152x48xf32, #tpu.memory_space<vmem>> -> memref<128x48xf32, #tpu.memory_space<vmem>>
    %dma_start3A_44 = arith.constant 0 : i32
    %dma_start3A_45 = tpu.memref_slice %arg5[%dma_start3A_40, %dma_start3A_44] : memref<9x128xi32, #tpu.memory_space<vmem>> -> memref<1x128xi32, #tpu.memory_space<vmem>>
    %dma_start3A_46 = tpu.memref_squeeze %dma_start3A_45 : memref<1x128xi32, #tpu.memory_space<vmem>> -> memref<128xi32, #tpu.memory_space<vmem>>
    %dma_start3A_47 = arith.constant 0 : i32
    %dma_start3A_48 = arith.constant 0 : i32
    %dma_start3A_49 = tpu.memref_slice %arg2[%dma_start3A_47, %dma_start3A_48] : memref<4096x48xf32, #tpu.memory_space<hbm>> -> memref<4096x48xf32, #tpu.memory_space<hbm>>
    tpu.enqueue_indirect_dma source(%dma_start3A_49 : memref<4096x48xf32, #tpu.memory_space<hbm>>) target(%dma_start3A_43 : memref<128x48xf32, #tpu.memory_space<vmem>>) offsets(%dma_start3A_46 : memref<128xi32, #tpu.memory_space<vmem>>) semaphore(%arg7 : memref<!tpu.dma_semaphore, #tpu.memory_space<semaphore_mem>>)
    %dma_start3A_50 = arith.constant 5 : i32
    %dma_start3A_51 = arith.constant 640 : i32
    %dma_start3A_52 = arith.constant 0 : i32
    %dma_start3A_53 = tpu.memref_slice %arg6[%dma_start3A_51, %dma_start3A_52] : memref<1152x48xf32, #tpu.memory_space<vmem>> -> memref<128x48xf32, #tpu.memory_space<vmem>>
    %dma_start3A_54 = arith.constant 0 : i32
    %dma_start3A_55 = tpu.memref_slice %arg5[%dma_start3A_50, %dma_start3A_54] : memref<9x128xi32, #tpu.memory_space<vmem>> -> memref<1x128xi32, #tpu.memory_space<vmem>>
    %dma_start3A_56 = tpu.memref_squeeze %dma_start3A_55 : memref<1x128xi32, #tpu.memory_space<vmem>> -> memref<128xi32, #tpu.memory_space<vmem>>
    %dma_start3A_57 = arith.constant 0 : i32
    %dma_start3A_58 = arith.constant 0 : i32
    %dma_start3A_59 = tpu.memref_slice %arg2[%dma_start3A_57, %dma_start3A_58] : memref<4096x48xf32, #tpu.memory_space<hbm>> -> memref<4096x48xf32, #tpu.memory_space<hbm>>
    tpu.enqueue_indirect_dma source(%dma_start3A_59 : memref<4096x48xf32, #tpu.memory_space<hbm>>) target(%dma_start3A_53 : memref<128x48xf32, #tpu.memory_space<vmem>>) offsets(%dma_start3A_56 : memref<128xi32, #tpu.memory_space<vmem>>) semaphore(%arg7 : memref<!tpu.dma_semaphore, #tpu.memory_space<semaphore_mem>>)
    %dma_start3A_60 = arith.constant 6 : i32
    %dma_start3A_61 = arith.constant 768 : i32
    %dma_start3A_62 = arith.constant 0 : i32
    %dma_start3A_63 = tpu.memref_slice %arg6[%dma_start3A_61, %dma_start3A_62] : memref<1152x48xf32, #tpu.memory_space<vmem>> -> memref<128x48xf32, #tpu.memory_space<vmem>>
    %dma_start3A_64 = arith.constant 0 : i32
    %dma_start3A_65 = tpu.memref_slice %arg5[%dma_start3A_60, %dma_start3A_64] : memref<9x128xi32, #tpu.memory_space<vmem>> -> memref<1x128xi32, #tpu.memory_space<vmem>>
    %dma_start3A_66 = tpu.memref_squeeze %dma_start3A_65 : memref<1x128xi32, #tpu.memory_space<vmem>> -> memref<128xi32, #tpu.memory_space<vmem>>
    %dma_start3A_67 = arith.constant 0 : i32
    %dma_start3A_68 = arith.constant 0 : i32
    %dma_start3A_69 = tpu.memref_slice %arg2[%dma_start3A_67, %dma_start3A_68] : memref<4096x48xf32, #tpu.memory_space<hbm>> -> memref<4096x48xf32, #tpu.memory_space<hbm>>
    tpu.enqueue_indirect_dma source(%dma_start3A_69 : memref<4096x48xf32, #tpu.memory_space<hbm>>) target(%dma_start3A_63 : memref<128x48xf32, #tpu.memory_space<vmem>>) offsets(%dma_start3A_66 : memref<128xi32, #tpu.memory_space<vmem>>) semaphore(%arg7 : memref<!tpu.dma_semaphore, #tpu.memory_space<semaphore_mem>>)
    %dma_start3A_70 = arith.constant 7 : i32
    %dma_start3A_71 = arith.constant 896 : i32
    %dma_start3A_72 = arith.constant 0 : i32
    %dma_start3A_73 = tpu.memref_slice %arg6[%dma_start3A_71, %dma_start3A_72] : memref<1152x48xf32, #tpu.memory_space<vmem>> -> memref<128x48xf32, #tpu.memory_space<vmem>>
    %dma_start3A_74 = arith.constant 0 : i32
    %dma_start3A_75 = tpu.memref_slice %arg5[%dma_start3A_70, %dma_start3A_74] : memref<9x128xi32, #tpu.memory_space<vmem>> -> memref<1x128xi32, #tpu.memory_space<vmem>>
    %dma_start3A_76 = tpu.memref_squeeze %dma_start3A_75 : memref<1x128xi32, #tpu.memory_space<vmem>> -> memref<128xi32, #tpu.memory_space<vmem>>
    %dma_start3A_77 = arith.constant 0 : i32
    %dma_start3A_78 = arith.constant 0 : i32
    %dma_start3A_79 = tpu.memref_slice %arg2[%dma_start3A_77, %dma_start3A_78] : memref<4096x48xf32, #tpu.memory_space<hbm>> -> memref<4096x48xf32, #tpu.memory_space<hbm>>
    tpu.enqueue_indirect_dma source(%dma_start3A_79 : memref<4096x48xf32, #tpu.memory_space<hbm>>) target(%dma_start3A_73 : memref<128x48xf32, #tpu.memory_space<vmem>>) offsets(%dma_start3A_76 : memref<128xi32, #tpu.memory_space<vmem>>) semaphore(%arg7 : memref<!tpu.dma_semaphore, #tpu.memory_space<semaphore_mem>>)
    %dma_start3A_80 = arith.constant 8 : i32
    %dma_start3A_81 = arith.constant 1024 : i32
    %dma_start3A_82 = arith.constant 0 : i32
    %dma_start3A_83 = tpu.memref_slice %arg6[%dma_start3A_81, %dma_start3A_82] : memref<1152x48xf32, #tpu.memory_space<vmem>> -> memref<128x48xf32, #tpu.memory_space<vmem>>
    %dma_start3A_84 = arith.constant 0 : i32
    %dma_start3A_85 = tpu.memref_slice %arg5[%dma_start3A_80, %dma_start3A_84] : memref<9x128xi32, #tpu.memory_space<vmem>> -> memref<1x128xi32, #tpu.memory_space<vmem>>
    %dma_start3A_86 = tpu.memref_squeeze %dma_start3A_85 : memref<1x128xi32, #tpu.memory_space<vmem>> -> memref<128xi32, #tpu.memory_space<vmem>>
    %dma_start3A_87 = arith.constant 0 : i32
    %dma_start3A_88 = arith.constant 0 : i32
    %dma_start3A_89 = tpu.memref_slice %arg2[%dma_start3A_87, %dma_start3A_88] : memref<4096x48xf32, #tpu.memory_space<hbm>> -> memref<4096x48xf32, #tpu.memory_space<hbm>>
    tpu.enqueue_indirect_dma source(%dma_start3A_89 : memref<4096x48xf32, #tpu.memory_space<hbm>>) target(%dma_start3A_83 : memref<128x48xf32, #tpu.memory_space<vmem>>) offsets(%dma_start3A_86 : memref<128xi32, #tpu.memory_space<vmem>>) semaphore(%arg7 : memref<!tpu.dma_semaphore, #tpu.memory_space<semaphore_mem>>)
    %dma_wait3A = arith.constant 0 : i32
    %dma_wait3A_90 = arith.constant 0 : i32
    %dma_wait3A_91 = arith.constant 0 : i32
    %dma_wait3A_92 = tpu.memref_slice %arg6[%dma_wait3A_90, %dma_wait3A_91] : memref<1152x48xf32, #tpu.memory_space<vmem>> -> memref<128x48xf32, #tpu.memory_space<vmem>>
    %dma_wait3A_93 = arith.constant 0 : i32
    %dma_wait3A_94 = tpu.memref_slice %arg5[%dma_wait3A, %dma_wait3A_93] : memref<9x128xi32, #tpu.memory_space<vmem>> -> memref<1x128xi32, #tpu.memory_space<vmem>>
    %dma_wait3A_95 = tpu.memref_squeeze %dma_wait3A_94 : memref<1x128xi32, #tpu.memory_space<vmem>> -> memref<128xi32, #tpu.memory_space<vmem>>
    %dma_wait3A_96 = arith.constant 0 : i32
    %dma_wait3A_97 = arith.constant 0 : i32
    %dma_wait3A_98 = tpu.memref_slice %arg2[%dma_wait3A_96, %dma_wait3A_97] : memref<4096x48xf32, #tpu.memory_space<hbm>> -> memref<4096x48xf32, #tpu.memory_space<hbm>>
    tpu.wait_indirect_dma semaphore(%arg7 : memref<!tpu.dma_semaphore, #tpu.memory_space<semaphore_mem>>) src(%dma_wait3A_98 : memref<4096x48xf32, #tpu.memory_space<hbm>>) dst(%dma_wait3A_92 : memref<128x48xf32, #tpu.memory_space<vmem>>)
    %dma_wait3A_99 = arith.constant 1 : i32
    %dma_wait3A_100 = arith.constant 128 : i32
    %dma_wait3A_101 = arith.constant 0 : i32
    %dma_wait3A_102 = tpu.memref_slice %arg6[%dma_wait3A_100, %dma_wait3A_101] : memref<1152x48xf32, #tpu.memory_space<vmem>> -> memref<128x48xf32, #tpu.memory_space<vmem>>
    %dma_wait3A_103 = arith.constant 0 : i32
    %dma_wait3A_104 = tpu.memref_slice %arg5[%dma_wait3A_99, %dma_wait3A_103] : memref<9x128xi32, #tpu.memory_space<vmem>> -> memref<1x128xi32, #tpu.memory_space<vmem>>
    %dma_wait3A_105 = tpu.memref_squeeze %dma_wait3A_104 : memref<1x128xi32, #tpu.memory_space<vmem>> -> memref<128xi32, #tpu.memory_space<vmem>>
    %dma_wait3A_106 = arith.constant 0 : i32
    %dma_wait3A_107 = arith.constant 0 : i32
    %dma_wait3A_108 = tpu.memref_slice %arg2[%dma_wait3A_106, %dma_wait3A_107] : memref<4096x48xf32, #tpu.memory_space<hbm>> -> memref<4096x48xf32, #tpu.memory_space<hbm>>
    tpu.wait_indirect_dma semaphore(%arg7 : memref<!tpu.dma_semaphore, #tpu.memory_space<semaphore_mem>>) src(%dma_wait3A_108 : memref<4096x48xf32, #tpu.memory_space<hbm>>) dst(%dma_wait3A_102 : memref<128x48xf32, #tpu.memory_space<vmem>>)
    %dma_wait3A_109 = arith.constant 2 : i32
    %dma_wait3A_110 = arith.constant 256 : i32
    %dma_wait3A_111 = arith.constant 0 : i32
    %dma_wait3A_112 = tpu.memref_slice %arg6[%dma_wait3A_110, %dma_wait3A_111] : memref<1152x48xf32, #tpu.memory_space<vmem>> -> memref<128x48xf32, #tpu.memory_space<vmem>>
    %dma_wait3A_113 = arith.constant 0 : i32
    %dma_wait3A_114 = tpu.memref_slice %arg5[%dma_wait3A_109, %dma_wait3A_113] : memref<9x128xi32, #tpu.memory_space<vmem>> -> memref<1x128xi32, #tpu.memory_space<vmem>>
    %dma_wait3A_115 = tpu.memref_squeeze %dma_wait3A_114 : memref<1x128xi32, #tpu.memory_space<vmem>> -> memref<128xi32, #tpu.memory_space<vmem>>
    %dma_wait3A_116 = arith.constant 0 : i32
    %dma_wait3A_117 = arith.constant 0 : i32
    %dma_wait3A_118 = tpu.memref_slice %arg2[%dma_wait3A_116, %dma_wait3A_117] : memref<4096x48xf32, #tpu.memory_space<hbm>> -> memref<4096x48xf32, #tpu.memory_space<hbm>>
    tpu.wait_indirect_dma semaphore(%arg7 : memref<!tpu.dma_semaphore, #tpu.memory_space<semaphore_mem>>) src(%dma_wait3A_118 : memref<4096x48xf32, #tpu.memory_space<hbm>>) dst(%dma_wait3A_112 : memref<128x48xf32, #tpu.memory_space<vmem>>)
    %dma_wait3A_119 = arith.constant 3 : i32
    %dma_wait3A_120 = arith.constant 384 : i32
    %dma_wait3A_121 = arith.constant 0 : i32
    %dma_wait3A_122 = tpu.memref_slice %arg6[%dma_wait3A_120, %dma_wait3A_121] : memref<1152x48xf32, #tpu.memory_space<vmem>> -> memref<128x48xf32, #tpu.memory_space<vmem>>
    %dma_wait3A_123 = arith.constant 0 : i32
    %dma_wait3A_124 = tpu.memref_slice %arg5[%dma_wait3A_119, %dma_wait3A_123] : memref<9x128xi32, #tpu.memory_space<vmem>> -> memref<1x128xi32, #tpu.memory_space<vmem>>
    %dma_wait3A_125 = tpu.memref_squeeze %dma_wait3A_124 : memref<1x128xi32, #tpu.memory_space<vmem>> -> memref<128xi32, #tpu.memory_space<vmem>>
    %dma_wait3A_126 = arith.constant 0 : i32
    %dma_wait3A_127 = arith.constant 0 : i32
    %dma_wait3A_128 = tpu.memref_slice %arg2[%dma_wait3A_126, %dma_wait3A_127] : memref<4096x48xf32, #tpu.memory_space<hbm>> -> memref<4096x48xf32, #tpu.memory_space<hbm>>
    tpu.wait_indirect_dma semaphore(%arg7 : memref<!tpu.dma_semaphore, #tpu.memory_space<semaphore_mem>>) src(%dma_wait3A_128 : memref<4096x48xf32, #tpu.memory_space<hbm>>) dst(%dma_wait3A_122 : memref<128x48xf32, #tpu.memory_space<vmem>>)
    %dma_wait3A_129 = arith.constant 4 : i32
    %dma_wait3A_130 = arith.constant 512 : i32
    %dma_wait3A_131 = arith.constant 0 : i32
    %dma_wait3A_132 = tpu.memref_slice %arg6[%dma_wait3A_130, %dma_wait3A_131] : memref<1152x48xf32, #tpu.memory_space<vmem>> -> memref<128x48xf32, #tpu.memory_space<vmem>>
    %dma_wait3A_133 = arith.constant 0 : i32
    %dma_wait3A_134 = tpu.memref_slice %arg5[%dma_wait3A_129, %dma_wait3A_133] : memref<9x128xi32, #tpu.memory_space<vmem>> -> memref<1x128xi32, #tpu.memory_space<vmem>>
    %dma_wait3A_135 = tpu.memref_squeeze %dma_wait3A_134 : memref<1x128xi32, #tpu.memory_space<vmem>> -> memref<128xi32, #tpu.memory_space<vmem>>
    %dma_wait3A_136 = arith.constant 0 : i32
    %dma_wait3A_137 = arith.constant 0 : i32
    %dma_wait3A_138 = tpu.memref_slice %arg2[%dma_wait3A_136, %dma_wait3A_137] : memref<4096x48xf32, #tpu.memory_space<hbm>> -> memref<4096x48xf32, #tpu.memory_space<hbm>>
    tpu.wait_indirect_dma semaphore(%arg7 : memref<!tpu.dma_semaphore, #tpu.memory_space<semaphore_mem>>) src(%dma_wait3A_138 : memref<4096x48xf32, #tpu.memory_space<hbm>>) dst(%dma_wait3A_132 : memref<128x48xf32, #tpu.memory_space<vmem>>)
    %dma_wait3A_139 = arith.constant 5 : i32
    %dma_wait3A_140 = arith.constant 640 : i32
    %dma_wait3A_141 = arith.constant 0 : i32
    %dma_wait3A_142 = tpu.memref_slice %arg6[%dma_wait3A_140, %dma_wait3A_141] : memref<1152x48xf32, #tpu.memory_space<vmem>> -> memref<128x48xf32, #tpu.memory_space<vmem>>
    %dma_wait3A_143 = arith.constant 0 : i32
    %dma_wait3A_144 = tpu.memref_slice %arg5[%dma_wait3A_139, %dma_wait3A_143] : memref<9x128xi32, #tpu.memory_space<vmem>> -> memref<1x128xi32, #tpu.memory_space<vmem>>
    %dma_wait3A_145 = tpu.memref_squeeze %dma_wait3A_144 : memref<1x128xi32, #tpu.memory_space<vmem>> -> memref<128xi32, #tpu.memory_space<vmem>>
    %dma_wait3A_146 = arith.constant 0 : i32
    %dma_wait3A_147 = arith.constant 0 : i32
    %dma_wait3A_148 = tpu.memref_slice %arg2[%dma_wait3A_146, %dma_wait3A_147] : memref<4096x48xf32, #tpu.memory_space<hbm>> -> memref<4096x48xf32, #tpu.memory_space<hbm>>
    tpu.wait_indirect_dma semaphore(%arg7 : memref<!tpu.dma_semaphore, #tpu.memory_space<semaphore_mem>>) src(%dma_wait3A_148 : memref<4096x48xf32, #tpu.memory_space<hbm>>) dst(%dma_wait3A_142 : memref<128x48xf32, #tpu.memory_space<vmem>>)
    %dma_wait3A_149 = arith.constant 6 : i32
    %dma_wait3A_150 = arith.constant 768 : i32
    %dma_wait3A_151 = arith.constant 0 : i32
    %dma_wait3A_152 = tpu.memref_slice %arg6[%dma_wait3A_150, %dma_wait3A_151] : memref<1152x48xf32, #tpu.memory_space<vmem>> -> memref<128x48xf32, #tpu.memory_space<vmem>>
    %dma_wait3A_153 = arith.constant 0 : i32
    %dma_wait3A_154 = tpu.memref_slice %arg5[%dma_wait3A_149, %dma_wait3A_153] : memref<9x128xi32, #tpu.memory_space<vmem>> -> memref<1x128xi32, #tpu.memory_space<vmem>>
    %dma_wait3A_155 = tpu.memref_squeeze %dma_wait3A_154 : memref<1x128xi32, #tpu.memory_space<vmem>> -> memref<128xi32, #tpu.memory_space<vmem>>
    %dma_wait3A_156 = arith.constant 0 : i32
    %dma_wait3A_157 = arith.constant 0 : i32
    %dma_wait3A_158 = tpu.memref_slice %arg2[%dma_wait3A_156, %dma_wait3A_157] : memref<4096x48xf32, #tpu.memory_space<hbm>> -> memref<4096x48xf32, #tpu.memory_space<hbm>>
    tpu.wait_indirect_dma semaphore(%arg7 : memref<!tpu.dma_semaphore, #tpu.memory_space<semaphore_mem>>) src(%dma_wait3A_158 : memref<4096x48xf32, #tpu.memory_space<hbm>>) dst(%dma_wait3A_152 : memref<128x48xf32, #tpu.memory_space<vmem>>)
    %dma_wait3A_159 = arith.constant 7 : i32
    %dma_wait3A_160 = arith.constant 896 : i32
    %dma_wait3A_161 = arith.constant 0 : i32
    %dma_wait3A_162 = tpu.memref_slice %arg6[%dma_wait3A_160, %dma_wait3A_161] : memref<1152x48xf32, #tpu.memory_space<vmem>> -> memref<128x48xf32, #tpu.memory_space<vmem>>
    %dma_wait3A_163 = arith.constant 0 : i32
    %dma_wait3A_164 = tpu.memref_slice %arg5[%dma_wait3A_159, %dma_wait3A_163] : memref<9x128xi32, #tpu.memory_space<vmem>> -> memref<1x128xi32, #tpu.memory_space<vmem>>
    %dma_wait3A_165 = tpu.memref_squeeze %dma_wait3A_164 : memref<1x128xi32, #tpu.memory_space<vmem>> -> memref<128xi32, #tpu.memory_space<vmem>>
    %dma_wait3A_166 = arith.constant 0 : i32
    %dma_wait3A_167 = arith.constant 0 : i32
    %dma_wait3A_168 = tpu.memref_slice %arg2[%dma_wait3A_166, %dma_wait3A_167] : memref<4096x48xf32, #tpu.memory_space<hbm>> -> memref<4096x48xf32, #tpu.memory_space<hbm>>
    tpu.wait_indirect_dma semaphore(%arg7 : memref<!tpu.dma_semaphore, #tpu.memory_space<semaphore_mem>>) src(%dma_wait3A_168 : memref<4096x48xf32, #tpu.memory_space<hbm>>) dst(%dma_wait3A_162 : memref<128x48xf32, #tpu.memory_space<vmem>>)
    %dma_wait3A_169 = arith.constant 8 : i32
    %dma_wait3A_170 = arith.constant 1024 : i32
    %dma_wait3A_171 = arith.constant 0 : i32
    %dma_wait3A_172 = tpu.memref_slice %arg6[%dma_wait3A_170, %dma_wait3A_171] : memref<1152x48xf32, #tpu.memory_space<vmem>> -> memref<128x48xf32, #tpu.memory_space<vmem>>
    %dma_wait3A_173 = arith.constant 0 : i32
    %dma_wait3A_174 = tpu.memref_slice %arg5[%dma_wait3A_169, %dma_wait3A_173] : memref<9x128xi32, #tpu.memory_space<vmem>> -> memref<1x128xi32, #tpu.memory_space<vmem>>
    %dma_wait3A_175 = tpu.memref_squeeze %dma_wait3A_174 : memref<1x128xi32, #tpu.memory_space<vmem>> -> memref<128xi32, #tpu.memory_space<vmem>>
    %dma_wait3A_176 = arith.constant 0 : i32
    %dma_wait3A_177 = arith.constant 0 : i32
    %dma_wait3A_178 = tpu.memref_slice %arg2[%dma_wait3A_176, %dma_wait3A_177] : memref<4096x48xf32, #tpu.memory_space<hbm>> -> memref<4096x48xf32, #tpu.memory_space<hbm>>
    tpu.wait_indirect_dma semaphore(%arg7 : memref<!tpu.dma_semaphore, #tpu.memory_space<semaphore_mem>>) src(%dma_wait3A_178 : memref<4096x48xf32, #tpu.memory_space<hbm>>) dst(%dma_wait3A_172 : memref<128x48xf32, #tpu.memory_space<vmem>>)
    %mul3A_179 = arith.constant 1152 : i32
    %mul3A_180 = arith.muli %add3A, %mul3A_179 : i32
    "tpu.region"() ({
      %run_scoped3A = tpu.sem_alloc : memref<!tpu.dma_semaphore, #tpu.memory_space<semaphore_mem>>
      %dma_start3A_181 = arith.constant 0 : i32
      %dma_start3A_182 = tpu.memref_slice %arg4[%mul3A_180, %dma_start3A_181] : memref<36864x48xf32, #tpu.memory_space<hbm>> -> memref<1152x48xf32, #tpu.memory_space<hbm>>
      %dma_start3A_183 = arith.constant 0 : i32
      %dma_start3A_184 = tpu.memref_slice %arg4[%mul3A_180, %dma_start3A_183] : memref<36864x48xf32, #tpu.memory_space<hbm>> -> memref<1152x48xf32, #tpu.memory_space<hbm>>
      tpu.enqueue_dma source(%arg6 : memref<1152x48xf32, #tpu.memory_space<vmem>>) target(%dma_start3A_184 : memref<1152x48xf32, #tpu.memory_space<hbm>>) target_semaphore(%run_scoped3A : memref<!tpu.dma_semaphore, #tpu.memory_space<semaphore_mem>>)
      %dma_wait3A_185 = arith.constant 0 : i32
      %dma_wait3A_186 = tpu.memref_slice %arg4[%mul3A_180, %dma_wait3A_185] : memref<36864x48xf32, #tpu.memory_space<hbm>> -> memref<1152x48xf32, #tpu.memory_space<hbm>>
      %dma_wait3A_187 = arith.constant 0 : i32
      %dma_wait3A_188 = tpu.memref_slice %arg4[%mul3A_180, %dma_wait3A_187] : memref<36864x48xf32, #tpu.memory_space<hbm>> -> memref<1152x48xf32, #tpu.memory_space<hbm>>
      tpu.wait_dma2 semaphore(%run_scoped3A : memref<!tpu.dma_semaphore, #tpu.memory_space<semaphore_mem>>) src(%arg6 : memref<1152x48xf32, #tpu.memory_space<vmem>>) dst(%dma_wait3A_188 : memref<1152x48xf32, #tpu.memory_space<hbm>>)
      tpu.yield
    }) : () -> ()
    return
  }
}

module attributes {stable_mosaic.version = 14 : i64} {
  func.func @_conv_body(%arg0: memref<4096x64xf32, #tpu.memory_space<vmem>>, %arg1: memref<64x48xf32, #tpu.memory_space<vmem>>, %arg2: memref<1x48xf32, #tpu.memory_space<vmem>>, %arg3: memref<4096x48xf32, #tpu.memory_space<vmem>>) attributes {dimension_semantics = [], scalar_prefetch = 0 : i64, scratch_operands = 0 : i64, tpu.core_type = #tpu.core_type<tc>} {
    %get3A = arith.constant 0 : index
    %get3A_0 = arith.constant 0 : index
    %get3A_1 = vector.load %arg0[%get3A, %get3A_0] : memref<4096x64xf32, #tpu.memory_space<vmem>>, vector<4096x64xf32>
    %get3A_2 = arith.constant 0 : index
    %get3A_3 = arith.constant 0 : index
    %get3A_4 = vector.load %arg1[%get3A_2, %get3A_3] : memref<64x48xf32, #tpu.memory_space<vmem>>, vector<64x48xf32>
    %convert_element_type3A = arith.truncf %get3A_1 : vector<4096x64xf32> to vector<4096x64xbf16>
    %convert_element_type3A_5 = arith.truncf %get3A_4 : vector<64x48xf32> to vector<64x48xbf16>
    %dot_general3A = arith.constant dense<0.000000e+00> : vector<4096x48xf32>
    %dot_general3A_6 = tpu.matmul %convert_element_type3A, %convert_element_type3A_5, %dot_general3A {dimension_numbers = #tpu.dot_dimension_numbers<[1], [0], [0], [1], [0, 0, 1, 1], [], []>, transpose_lhs_hint = false} : vector<4096x64xbf16>, vector<64x48xbf16>, vector<4096x48xf32> -> vector<4096x48xf32>
    %get3A_7 = arith.constant 0 : index
    %get3A_8 = arith.constant 0 : index
    %get3A_9 = vector.load %arg2[%get3A_7, %get3A_8] : memref<1x48xf32, #tpu.memory_space<vmem>>, vector<1x48xf32>
    %add3A = vector.broadcast %get3A_9 : vector<1x48xf32> to vector<4096x48xf32>
    %add3A_10 = arith.addf %dot_general3A_6, %add3A : vector<4096x48xf32>
    %swap3A = arith.constant 0 : index
    %swap3A_11 = arith.constant 0 : index
    %swap3A_12 = vector.load %arg3[%swap3A, %swap3A_11] : memref<4096x48xf32, #tpu.memory_space<vmem>>, vector<4096x48xf32>
    tpu.vector_store %arg3[%swap3A, %swap3A_11], %add3A_10 {strides = array<i32>} : memref<4096x48xf32, #tpu.memory_space<vmem>>, vector<4096x48xf32>,
    return
  }
}

module attributes {stable_mosaic.version = 14 : i64} {
  func.func @_bnmm_body(%arg0: memref<4096x48xf32, #tpu.memory_space<vmem>>, %arg1: memref<1x48xf32, #tpu.memory_space<vmem>>, %arg2: memref<1x48xf32, #tpu.memory_space<vmem>>, %arg3: memref<1x48xf32, #tpu.memory_space<vmem>>, %arg4: memref<1x48xf32, #tpu.memory_space<vmem>>, %arg5: memref<48x48xf32, #tpu.memory_space<vmem>>, %arg6: memref<1x48xf32, #tpu.memory_space<vmem>>, %arg7: memref<4096x48xf32, #tpu.memory_space<vmem>>, %arg8: memref<4096x48xf32, #tpu.memory_space<vmem>>) attributes {dimension_semantics = [], scalar_prefetch = 0 : i64, scratch_operands = 0 : i64, tpu.core_type = #tpu.core_type<tc>} {
    %get3A = arith.constant 0 : index
    %get3A_0 = arith.constant 0 : index
    %get3A_1 = vector.load %arg0[%get3A, %get3A_0] : memref<4096x48xf32, #tpu.memory_space<vmem>>, vector<4096x48xf32>
    %get3A_2 = arith.constant 0 : index
    %get3A_3 = arith.constant 0 : index
    %get3A_4 = vector.load %arg1[%get3A_2, %get3A_3] : memref<1x48xf32, #tpu.memory_space<vmem>>, vector<1x48xf32>
    %sub3A = vector.broadcast %get3A_4 : vector<1x48xf32> to vector<4096x48xf32>
    %sub3A_5 = arith.subf %get3A_1, %sub3A : vector<4096x48xf32>
    %get3A_6 = arith.constant 0 : index
    %get3A_7 = arith.constant 0 : index
    %get3A_8 = vector.load %arg2[%get3A_6, %get3A_7] : memref<1x48xf32, #tpu.memory_space<vmem>>, vector<1x48xf32>
    %div3A = vector.broadcast %get3A_8 : vector<1x48xf32> to vector<4096x48xf32>
    %div3A_9 = arith.divf %sub3A_5, %div3A : vector<4096x48xf32>
    %get3A_10 = arith.constant 0 : index
    %get3A_11 = arith.constant 0 : index
    %get3A_12 = vector.load %arg3[%get3A_10, %get3A_11] : memref<1x48xf32, #tpu.memory_space<vmem>>, vector<1x48xf32>
    %mul3A = vector.broadcast %get3A_12 : vector<1x48xf32> to vector<4096x48xf32>
    %mul3A_13 = arith.mulf %div3A_9, %mul3A : vector<4096x48xf32>
    %get3A_14 = arith.constant 0 : index
    %get3A_15 = arith.constant 0 : index
    %get3A_16 = vector.load %arg4[%get3A_14, %get3A_15] : memref<1x48xf32, #tpu.memory_space<vmem>>, vector<1x48xf32>
    %add3A = vector.broadcast %get3A_16 : vector<1x48xf32> to vector<4096x48xf32>
    %add3A_17 = arith.addf %mul3A_13, %add3A : vector<4096x48xf32>
    %max3A = arith.constant 0.000000e+00 : f32
    %max3A_18 = vector.broadcast %max3A : f32 to vector<4096x48xf32>
    %max3A_19 = arith.maximumf %add3A_17, %max3A_18 : vector<4096x48xf32>
    %swap3A = arith.constant 0 : index
    %swap3A_20 = arith.constant 0 : index
    %swap3A_21 = vector.load %arg7[%swap3A, %swap3A_20] : memref<4096x48xf32, #tpu.memory_space<vmem>>, vector<4096x48xf32>
    tpu.vector_store %arg7[%swap3A, %swap3A_20], %max3A_19 {strides = array<i32>} : memref<4096x48xf32, #tpu.memory_space<vmem>>, vector<4096x48xf32>,
    %get3A_22 = arith.constant 0 : index
    %get3A_23 = arith.constant 0 : index
    %get3A_24 = vector.load %arg5[%get3A_22, %get3A_23] : memref<48x48xf32, #tpu.memory_space<vmem>>, vector<48x48xf32>
    %convert_element_type3A = arith.truncf %max3A_19 : vector<4096x48xf32> to vector<4096x48xbf16>
    %convert_element_type3A_25 = arith.truncf %get3A_24 : vector<48x48xf32> to vector<48x48xbf16>
    %dot_general3A = arith.constant dense<0.000000e+00> : vector<4096x48xf32>
    %dot_general3A_26 = tpu.matmul %convert_element_type3A, %convert_element_type3A_25, %dot_general3A {dimension_numbers = #tpu.dot_dimension_numbers<[1], [0], [0], [1], [0, 0, 1, 1], [], []>, transpose_lhs_hint = false} : vector<4096x48xbf16>, vector<48x48xbf16>, vector<4096x48xf32> -> vector<4096x48xf32>
    %get3A_27 = arith.constant 0 : index
    %get3A_28 = arith.constant 0 : index
    %get3A_29 = vector.load %arg6[%get3A_27, %get3A_28] : memref<1x48xf32, #tpu.memory_space<vmem>>, vector<1x48xf32>
    %add3A_30 = vector.broadcast %get3A_29 : vector<1x48xf32> to vector<4096x48xf32>
    %add3A_31 = arith.addf %dot_general3A_26, %add3A_30 : vector<4096x48xf32>
    %swap3A_32 = arith.constant 0 : index
    %swap3A_33 = arith.constant 0 : index
    %swap3A_34 = vector.load %arg8[%swap3A_32, %swap3A_33] : memref<4096x48xf32, #tpu.memory_space<vmem>>, vector<4096x48xf32>
    tpu.vector_store %arg8[%swap3A_32, %swap3A_33], %add3A_31 {strides = array<i32>} : memref<4096x48xf32, #tpu.memory_space<vmem>>, vector<4096x48xf32>,
    return
  }
}

module attributes {stable_mosaic.version = 14 : i64} {
  func.func @_bn_body(%arg0: memref<4096x48xf32, #tpu.memory_space<vmem>>, %arg1: memref<1x48xf32, #tpu.memory_space<vmem>>, %arg2: memref<1x48xf32, #tpu.memory_space<vmem>>, %arg3: memref<1x48xf32, #tpu.memory_space<vmem>>, %arg4: memref<1x48xf32, #tpu.memory_space<vmem>>, %arg5: memref<4096x48xf32, #tpu.memory_space<vmem>>) attributes {dimension_semantics = [], scalar_prefetch = 0 : i64, scratch_operands = 0 : i64, tpu.core_type = #tpu.core_type<tc>} {
    %get3A = arith.constant 0 : index
    %get3A_0 = arith.constant 0 : index
    %get3A_1 = vector.load %arg0[%get3A, %get3A_0] : memref<4096x48xf32, #tpu.memory_space<vmem>>, vector<4096x48xf32>
    %get3A_2 = arith.constant 0 : index
    %get3A_3 = arith.constant 0 : index
    %get3A_4 = vector.load %arg1[%get3A_2, %get3A_3] : memref<1x48xf32, #tpu.memory_space<vmem>>, vector<1x48xf32>
    %sub3A = vector.broadcast %get3A_4 : vector<1x48xf32> to vector<4096x48xf32>
    %sub3A_5 = arith.subf %get3A_1, %sub3A : vector<4096x48xf32>
    %get3A_6 = arith.constant 0 : index
    %get3A_7 = arith.constant 0 : index
    %get3A_8 = vector.load %arg2[%get3A_6, %get3A_7] : memref<1x48xf32, #tpu.memory_space<vmem>>, vector<1x48xf32>
    %div3A = vector.broadcast %get3A_8 : vector<1x48xf32> to vector<4096x48xf32>
    %div3A_9 = arith.divf %sub3A_5, %div3A : vector<4096x48xf32>
    %get3A_10 = arith.constant 0 : index
    %get3A_11 = arith.constant 0 : index
    %get3A_12 = vector.load %arg3[%get3A_10, %get3A_11] : memref<1x48xf32, #tpu.memory_space<vmem>>, vector<1x48xf32>
    %mul3A = vector.broadcast %get3A_12 : vector<1x48xf32> to vector<4096x48xf32>
    %mul3A_13 = arith.mulf %div3A_9, %mul3A : vector<4096x48xf32>
    %get3A_14 = arith.constant 0 : index
    %get3A_15 = arith.constant 0 : index
    %get3A_16 = vector.load %arg4[%get3A_14, %get3A_15] : memref<1x48xf32, #tpu.memory_space<vmem>>, vector<1x48xf32>
    %add3A = vector.broadcast %get3A_16 : vector<1x48xf32> to vector<4096x48xf32>
    %add3A_17 = arith.addf %mul3A_13, %add3A : vector<4096x48xf32>
    %swap3A = arith.constant 0 : index
    %swap3A_18 = arith.constant 0 : index
    %swap3A_19 = vector.load %arg5[%swap3A, %swap3A_18] : memref<4096x48xf32, #tpu.memory_space<vmem>>, vector<4096x48xf32>
    tpu.vector_store %arg5[%swap3A, %swap3A_18], %add3A_17 {strides = array<i32>} : memref<4096x48xf32, #tpu.memory_space<vmem>>, vector<4096x48xf32>,
    return
  }
}

module attributes {stable_mosaic.version = 14 : i64} {
  func.func @_knn_body(%arg0: i32, %arg1: memref<256x48xf32, #tpu.memory_space<vmem>>, %arg2: memref<48x4096xf32, #tpu.memory_space<vmem>>, %arg3: memref<256x1xf32, #tpu.memory_space<vmem>>, %arg4: memref<1x4096xf32, #tpu.memory_space<vmem>>, %arg5: memref<256x9xi32, #tpu.memory_space<vmem>>) attributes {dimension_semantics = [#tpu.dimension_semantics<arbitrary>], iteration_bounds = array<i64: 16>, scalar_prefetch = 0 : i64, scratch_operands = 0 : i64, tpu.core_type = #tpu.core_type<tc>, window_params = [{transform_indices = @transform_0, window_bounds = array<i64: 256, 48>}, {pipeline_mode = #tpu.pipeline_mode<synchronous>, transform_indices = @transform_1, window_bounds = array<i64: 48, 4096>}, {transform_indices = @transform_2, window_bounds = array<i64: 256, 1>}, {pipeline_mode = #tpu.pipeline_mode<synchronous>, transform_indices = @transform_3, window_bounds = array<i64: 1, 4096>}, {transform_indices = @transform_4, window_bounds = array<i64: 256, 9>}]} {
    %get3A = arith.constant 0 : index
    %get3A_0 = arith.constant 0 : index
    %get3A_1 = vector.load %arg1[%get3A, %get3A_0] : memref<256x48xf32, #tpu.memory_space<vmem>>, vector<256x48xf32>
    %get3A_2 = arith.constant 0 : index
    %get3A_3 = arith.constant 0 : index
    %get3A_4 = vector.load %arg2[%get3A_2, %get3A_3] : memref<48x4096xf32, #tpu.memory_space<vmem>>, vector<48x4096xf32>
    %convert_element_type3A = arith.truncf %get3A_1 : vector<256x48xf32> to vector<256x48xbf16>
    %convert_element_type3A_5 = arith.truncf %get3A_4 : vector<48x4096xf32> to vector<48x4096xbf16>
    %dot_general3A = arith.constant dense<0.000000e+00> : vector<256x4096xf32>
    %dot_general3A_6 = tpu.matmul %convert_element_type3A, %convert_element_type3A_5, %dot_general3A {dimension_numbers = #tpu.dot_dimension_numbers<[1], [0], [0], [1], [0, 0, 1, 1], [], []>, transpose_lhs_hint = false} : vector<256x48xbf16>, vector<48x4096xbf16>, vector<256x4096xf32> -> vector<256x4096xf32>
    %get3A_7 = arith.constant 0 : index
    %get3A_8 = arith.constant 0 : index
    %get3A_9 = vector.load %arg3[%get3A_7, %get3A_8] : memref<256x1xf32, #tpu.memory_space<vmem>>, vector<256x1xf32>
    %get3A_10 = arith.constant 0 : index
    %get3A_11 = arith.constant 0 : index
    %get3A_12 = vector.load %arg4[%get3A_10, %get3A_11] : memref<1x4096xf32, #tpu.memory_space<vmem>>, vector<1x4096xf32>
    %add3A = vector.broadcast %get3A_9 : vector<256x1xf32> to vector<256x4096xf32>
    %add3A_13 = vector.broadcast %get3A_12 : vector<1x4096xf32> to vector<256x4096xf32>
    %add3A_14 = arith.addf %add3A, %add3A_13 : vector<256x4096xf32>
    %mul3A = arith.constant 2.000000e+00 : f32
    %mul3A_15 = vector.broadcast %mul3A : f32 to vector<256x4096xf32>
    %mul3A_16 = arith.mulf %mul3A_15, %dot_general3A_6 : vector<256x4096xf32>
    %sub3A = arith.subf %add3A_14, %mul3A_16 : vector<256x4096xf32>
    %iota3A = tpu.iota {dimensions = array<i32: 1>} : vector<256x4096xi32>
    %reduce_min3A = arith.constant dense<0x7F800000> : vector<256xf32>
    %reduce_min3A_17 = vector.multi_reduction <minimumf>, %sub3A, %reduce_min3A [1] : vector<256x4096xf32> to vector<256xf32>
    %broadcast_in_dim3A = vector.shape_cast %reduce_min3A_17 : vector<256xf32> to vector<256x1xf32>
    %eq3A = vector.broadcast %broadcast_in_dim3A : vector<256x1xf32> to vector<256x4096xf32>
    %eq3A_18 = arith.cmpf oeq, %sub3A, %eq3A : vector<256x4096xf32>
    %jit3A = arith.constant 1073741824 : i32
    %broadcast_in_dim3A_19 = vector.broadcast %jit3A : i32 to vector<256x4096xi32>
    %select_n3A = arith.select %eq3A_18, %iota3A, %broadcast_in_dim3A_19 : vector<256x4096xi1>, vector<256x4096xi32>
    %reduce_min3A_20 = arith.constant dense<2147483647> : vector<256xi32>
    %reduce_min3A_21 = vector.multi_reduction <minsi>, %select_n3A, %reduce_min3A_20 [1] : vector<256x4096xi32> to vector<256xi32>
    %broadcast_in_dim3A_22 = vector.shape_cast %reduce_min3A_21 : vector<256xi32> to vector<256x1xi32>
    %eq3A_23 = vector.broadcast %broadcast_in_dim3A_22 : vector<256x1xi32> to vector<256x4096xi32>
    %eq3A_24 = arith.cmpi eq, %iota3A, %eq3A_23 : vector<256x4096xi32>
    %jit3A_25 = arith.constant 0x7F800000 : f32
    %broadcast_in_dim3A_26 = vector.broadcast %jit3A_25 : f32 to vector<256x4096xf32>
    %select_n3A_27 = arith.select %eq3A_24, %broadcast_in_dim3A_26, %sub3A : vector<256x4096xi1>, vector<256x4096xf32>
    %reduce_min3A_28 = arith.constant dense<0x7F800000> : vector<256xf32>
    %reduce_min3A_29 = vector.multi_reduction <minimumf>, %select_n3A_27, %reduce_min3A_28 [1] : vector<256x4096xf32> to vector<256xf32>
    %broadcast_in_dim3A_30 = vector.shape_cast %reduce_min3A_29 : vector<256xf32> to vector<256x1xf32>
    %eq3A_31 = vector.broadcast %broadcast_in_dim3A_30 : vector<256x1xf32> to vector<256x4096xf32>
    %eq3A_32 = arith.cmpf oeq, %select_n3A_27, %eq3A_31 : vector<256x4096xf32>
    %jit3A_33 = arith.constant 1073741824 : i32
    %broadcast_in_dim3A_34 = vector.broadcast %jit3A_33 : i32 to vector<256x4096xi32>
    %select_n3A_35 = arith.select %eq3A_32, %iota3A, %broadcast_in_dim3A_34 : vector<256x4096xi1>, vector<256x4096xi32>
    %reduce_min3A_36 = arith.constant dense<2147483647> : vector<256xi32>
    %reduce_min3A_37 = vector.multi_reduction <minsi>, %select_n3A_35, %reduce_min3A_36 [1] : vector<256x4096xi32> to vector<256xi32>
    %broadcast_in_dim3A_38 = vector.shape_cast %reduce_min3A_37 : vector<256xi32> to vector<256x1xi32>
    %eq3A_39 = vector.broadcast %broadcast_in_dim3A_38 : vector<256x1xi32> to vector<256x4096xi32>
    %eq3A_40 = arith.cmpi eq, %iota3A, %eq3A_39 : vector<256x4096xi32>
    %jit3A_41 = arith.constant 0x7F800000 : f32
    %broadcast_in_dim3A_42 = vector.broadcast %jit3A_41 : f32 to vector<256x4096xf32>
    %select_n3A_43 = arith.select %eq3A_40, %broadcast_in_dim3A_42, %select_n3A_27 : vector<256x4096xi1>, vector<256x4096xf32>
    %reduce_min3A_44 = arith.constant dense<0x7F800000> : vector<256xf32>
    %reduce_min3A_45 = vector.multi_reduction <minimumf>, %select_n3A_43, %reduce_min3A_44 [1] : vector<256x4096xf32> to vector<256xf32>
    %broadcast_in_dim3A_46 = vector.shape_cast %reduce_min3A_45 : vector<256xf32> to vector<256x1xf32>
    %eq3A_47 = vector.broadcast %broadcast_in_dim3A_46 : vector<256x1xf32> to vector<256x4096xf32>
    %eq3A_48 = arith.cmpf oeq, %select_n3A_43, %eq3A_47 : vector<256x4096xf32>
    %jit3A_49 = arith.constant 1073741824 : i32
    %broadcast_in_dim3A_50 = vector.broadcast %jit3A_49 : i32 to vector<256x4096xi32>
    %select_n3A_51 = arith.select %eq3A_48, %iota3A, %broadcast_in_dim3A_50 : vector<256x4096xi1>, vector<256x4096xi32>
    %reduce_min3A_52 = arith.constant dense<2147483647> : vector<256xi32>
    %reduce_min3A_53 = vector.multi_reduction <minsi>, %select_n3A_51, %reduce_min3A_52 [1] : vector<256x4096xi32> to vector<256xi32>
    %broadcast_in_dim3A_54 = vector.shape_cast %reduce_min3A_53 : vector<256xi32> to vector<256x1xi32>
    %eq3A_55 = vector.broadcast %broadcast_in_dim3A_54 : vector<256x1xi32> to vector<256x4096xi32>
    %eq3A_56 = arith.cmpi eq, %iota3A, %eq3A_55 : vector<256x4096xi32>
    %jit3A_57 = arith.constant 0x7F800000 : f32
    %broadcast_in_dim3A_58 = vector.broadcast %jit3A_57 : f32 to vector<256x4096xf32>
    %select_n3A_59 = arith.select %eq3A_56, %broadcast_in_dim3A_58, %select_n3A_43 : vector<256x4096xi1>, vector<256x4096xf32>
    %reduce_min3A_60 = arith.constant dense<0x7F800000> : vector<256xf32>
    %reduce_min3A_61 = vector.multi_reduction <minimumf>, %select_n3A_59, %reduce_min3A_60 [1] : vector<256x4096xf32> to vector<256xf32>
    %broadcast_in_dim3A_62 = vector.shape_cast %reduce_min3A_61 : vector<256xf32> to vector<256x1xf32>
    %eq3A_63 = vector.broadcast %broadcast_in_dim3A_62 : vector<256x1xf32> to vector<256x4096xf32>
    %eq3A_64 = arith.cmpf oeq, %select_n3A_59, %eq3A_63 : vector<256x4096xf32>
    %jit3A_65 = arith.constant 1073741824 : i32
    %broadcast_in_dim3A_66 = vector.broadcast %jit3A_65 : i32 to vector<256x4096xi32>
    %select_n3A_67 = arith.select %eq3A_64, %iota3A, %broadcast_in_dim3A_66 : vector<256x4096xi1>, vector<256x4096xi32>
    %reduce_min3A_68 = arith.constant dense<2147483647> : vector<256xi32>
    %reduce_min3A_69 = vector.multi_reduction <minsi>, %select_n3A_67, %reduce_min3A_68 [1] : vector<256x4096xi32> to vector<256xi32>
    %broadcast_in_dim3A_70 = vector.shape_cast %reduce_min3A_69 : vector<256xi32> to vector<256x1xi32>
    %eq3A_71 = vector.broadcast %broadcast_in_dim3A_70 : vector<256x1xi32> to vector<256x4096xi32>
    %eq3A_72 = arith.cmpi eq, %iota3A, %eq3A_71 : vector<256x4096xi32>
    %jit3A_73 = arith.constant 0x7F800000 : f32
    %broadcast_in_dim3A_74 = vector.broadcast %jit3A_73 : f32 to vector<256x4096xf32>
    %select_n3A_75 = arith.select %eq3A_72, %broadcast_in_dim3A_74, %select_n3A_59 : vector<256x4096xi1>, vector<256x4096xf32>
    %reduce_min3A_76 = arith.constant dense<0x7F800000> : vector<256xf32>
    %reduce_min3A_77 = vector.multi_reduction <minimumf>, %select_n3A_75, %reduce_min3A_76 [1] : vector<256x4096xf32> to vector<256xf32>
    %broadcast_in_dim3A_78 = vector.shape_cast %reduce_min3A_77 : vector<256xf32> to vector<256x1xf32>
    %eq3A_79 = vector.broadcast %broadcast_in_dim3A_78 : vector<256x1xf32> to vector<256x4096xf32>
    %eq3A_80 = arith.cmpf oeq, %select_n3A_75, %eq3A_79 : vector<256x4096xf32>
    %jit3A_81 = arith.constant 1073741824 : i32
    %broadcast_in_dim3A_82 = vector.broadcast %jit3A_81 : i32 to vector<256x4096xi32>
    %select_n3A_83 = arith.select %eq3A_80, %iota3A, %broadcast_in_dim3A_82 : vector<256x4096xi1>, vector<256x4096xi32>
    %reduce_min3A_84 = arith.constant dense<2147483647> : vector<256xi32>
    %reduce_min3A_85 = vector.multi_reduction <minsi>, %select_n3A_83, %reduce_min3A_84 [1] : vector<256x4096xi32> to vector<256xi32>
    %broadcast_in_dim3A_86 = vector.shape_cast %reduce_min3A_85 : vector<256xi32> to vector<256x1xi32>
    %eq3A_87 = vector.broadcast %broadcast_in_dim3A_86 : vector<256x1xi32> to vector<256x4096xi32>
    %eq3A_88 = arith.cmpi eq, %iota3A, %eq3A_87 : vector<256x4096xi32>
    %jit3A_89 = arith.constant 0x7F800000 : f32
    %broadcast_in_dim3A_90 = vector.broadcast %jit3A_89 : f32 to vector<256x4096xf32>
    %select_n3A_91 = arith.select %eq3A_88, %broadcast_in_dim3A_90, %select_n3A_75 : vector<256x4096xi1>, vector<256x4096xf32>
    %reduce_min3A_92 = arith.constant dense<0x7F800000> : vector<256xf32>
    %reduce_min3A_93 = vector.multi_reduction <minimumf>, %select_n3A_91, %reduce_min3A_92 [1] : vector<256x4096xf32> to vector<256xf32>
    %broadcast_in_dim3A_94 = vector.shape_cast %reduce_min3A_93 : vector<256xf32> to vector<256x1xf32>
    %eq3A_95 = vector.broadcast %broadcast_in_dim3A_94 : vector<256x1xf32> to vector<256x4096xf32>
    %eq3A_96 = arith.cmpf oeq, %select_n3A_91, %eq3A_95 : vector<256x4096xf32>
    %jit3A_97 = arith.constant 1073741824 : i32
    %broadcast_in_dim3A_98 = vector.broadcast %jit3A_97 : i32 to vector<256x4096xi32>
    %select_n3A_99 = arith.select %eq3A_96, %iota3A, %broadcast_in_dim3A_98 : vector<256x4096xi1>, vector<256x4096xi32>
    %reduce_min3A_100 = arith.constant dense<2147483647> : vector<256xi32>
    %reduce_min3A_101 = vector.multi_reduction <minsi>, %select_n3A_99, %reduce_min3A_100 [1] : vector<256x4096xi32> to vector<256xi32>
    %broadcast_in_dim3A_102 = vector.shape_cast %reduce_min3A_101 : vector<256xi32> to vector<256x1xi32>
    %eq3A_103 = vector.broadcast %broadcast_in_dim3A_102 : vector<256x1xi32> to vector<256x4096xi32>
    %eq3A_104 = arith.cmpi eq, %iota3A, %eq3A_103 : vector<256x4096xi32>
    %jit3A_105 = arith.constant 0x7F800000 : f32
    %broadcast_in_dim3A_106 = vector.broadcast %jit3A_105 : f32 to vector<256x4096xf32>
    %select_n3A_107 = arith.select %eq3A_104, %broadcast_in_dim3A_106, %select_n3A_91 : vector<256x4096xi1>, vector<256x4096xf32>
    %reduce_min3A_108 = arith.constant dense<0x7F800000> : vector<256xf32>
    %reduce_min3A_109 = vector.multi_reduction <minimumf>, %select_n3A_107, %reduce_min3A_108 [1] : vector<256x4096xf32> to vector<256xf32>
    %broadcast_in_dim3A_110 = vector.shape_cast %reduce_min3A_109 : vector<256xf32> to vector<256x1xf32>
    %eq3A_111 = vector.broadcast %broadcast_in_dim3A_110 : vector<256x1xf32> to vector<256x4096xf32>
    %eq3A_112 = arith.cmpf oeq, %select_n3A_107, %eq3A_111 : vector<256x4096xf32>
    %jit3A_113 = arith.constant 1073741824 : i32
    %broadcast_in_dim3A_114 = vector.broadcast %jit3A_113 : i32 to vector<256x4096xi32>
    %select_n3A_115 = arith.select %eq3A_112, %iota3A, %broadcast_in_dim3A_114 : vector<256x4096xi1>, vector<256x4096xi32>
    %reduce_min3A_116 = arith.constant dense<2147483647> : vector<256xi32>
    %reduce_min3A_117 = vector.multi_reduction <minsi>, %select_n3A_115, %reduce_min3A_116 [1] : vector<256x4096xi32> to vector<256xi32>
    %broadcast_in_dim3A_118 = vector.shape_cast %reduce_min3A_117 : vector<256xi32> to vector<256x1xi32>
    %eq3A_119 = vector.broadcast %broadcast_in_dim3A_118 : vector<256x1xi32> to vector<256x4096xi32>
    %eq3A_120 = arith.cmpi eq, %iota3A, %eq3A_119 : vector<256x4096xi32>
    %jit3A_121 = arith.constant 0x7F800000 : f32
    %broadcast_in_dim3A_122 = vector.broadcast %jit3A_121 : f32 to vector<256x4096xf32>
    %select_n3A_123 = arith.select %eq3A_120, %broadcast_in_dim3A_122, %select_n3A_107 : vector<256x4096xi1>, vector<256x4096xf32>
    %reduce_min3A_124 = arith.constant dense<0x7F800000> : vector<256xf32>
    %reduce_min3A_125 = vector.multi_reduction <minimumf>, %select_n3A_123, %reduce_min3A_124 [1] : vector<256x4096xf32> to vector<256xf32>
    %broadcast_in_dim3A_126 = vector.shape_cast %reduce_min3A_125 : vector<256xf32> to vector<256x1xf32>
    %eq3A_127 = vector.broadcast %broadcast_in_dim3A_126 : vector<256x1xf32> to vector<256x4096xf32>
    %eq3A_128 = arith.cmpf oeq, %select_n3A_123, %eq3A_127 : vector<256x4096xf32>
    %jit3A_129 = arith.constant 1073741824 : i32
    %broadcast_in_dim3A_130 = vector.broadcast %jit3A_129 : i32 to vector<256x4096xi32>
    %select_n3A_131 = arith.select %eq3A_128, %iota3A, %broadcast_in_dim3A_130 : vector<256x4096xi1>, vector<256x4096xi32>
    %reduce_min3A_132 = arith.constant dense<2147483647> : vector<256xi32>
    %reduce_min3A_133 = vector.multi_reduction <minsi>, %select_n3A_131, %reduce_min3A_132 [1] : vector<256x4096xi32> to vector<256xi32>
    %broadcast_in_dim3A_134 = vector.shape_cast %reduce_min3A_133 : vector<256xi32> to vector<256x1xi32>
    %eq3A_135 = vector.broadcast %broadcast_in_dim3A_134 : vector<256x1xi32> to vector<256x4096xi32>
    %eq3A_136 = arith.cmpi eq, %iota3A, %eq3A_135 : vector<256x4096xi32>
    %jit3A_137 = arith.constant 0x7F800000 : f32
    %broadcast_in_dim3A_138 = vector.broadcast %jit3A_137 : f32 to vector<256x4096xf32>
    %select_n3A_139 = arith.select %eq3A_136, %broadcast_in_dim3A_138, %select_n3A_123 : vector<256x4096xi1>, vector<256x4096xf32>
    %reduce_min3A_140 = arith.constant dense<0x7F800000> : vector<256xf32>
    %reduce_min3A_141 = vector.multi_reduction <minimumf>, %select_n3A_139, %reduce_min3A_140 [1] : vector<256x4096xf32> to vector<256xf32>
    %broadcast_in_dim3A_142 = vector.shape_cast %reduce_min3A_141 : vector<256xf32> to vector<256x1xf32>
    %eq3A_143 = vector.broadcast %broadcast_in_dim3A_142 : vector<256x1xf32> to vector<256x4096xf32>
    %eq3A_144 = arith.cmpf oeq, %select_n3A_139, %eq3A_143 : vector<256x4096xf32>
    %jit3A_145 = arith.constant 1073741824 : i32
    %broadcast_in_dim3A_146 = vector.broadcast %jit3A_145 : i32 to vector<256x4096xi32>
    %select_n3A_147 = arith.select %eq3A_144, %iota3A, %broadcast_in_dim3A_146 : vector<256x4096xi1>, vector<256x4096xi32>
    %reduce_min3A_148 = arith.constant dense<2147483647> : vector<256xi32>
    %reduce_min3A_149 = vector.multi_reduction <minsi>, %select_n3A_147, %reduce_min3A_148 [1] : vector<256x4096xi32> to vector<256xi32>
    %broadcast_in_dim3A_150 = vector.shape_cast %reduce_min3A_149 : vector<256xi32> to vector<256x1xi32>
    %concatenate3A = tpu.concatenate %broadcast_in_dim3A_22, %broadcast_in_dim3A_38, %broadcast_in_dim3A_54, %broadcast_in_dim3A_70, %broadcast_in_dim3A_86, %broadcast_in_dim3A_102, %broadcast_in_dim3A_118, %broadcast_in_dim3A_134, %broadcast_in_dim3A_150 in 1 : vector<256x1xi32>, vector<256x1xi32>, vector<256x1xi32>, vector<256x1xi32>, vector<256x1xi32>, vector<256x1xi32>, vector<256x1xi32>, vector<256x1xi32>, vector<256x1xi32> -> vector<256x9xi32>
    %swap3A = arith.constant 0 : index
    %swap3A_151 = arith.constant 0 : index
    %swap3A_152 = vector.load %arg5[%swap3A, %swap3A_151] : memref<256x9xi32, #tpu.memory_space<vmem>>, vector<256x9xi32>
    tpu.vector_store %arg5[%swap3A, %swap3A_151], %concatenate3A {strides = array<i32>} : memref<256x9xi32, #tpu.memory_space<vmem>>, vector<256x9xi32>,
    return
  }
  func.func @transform_0(%arg0: i32) -> (i32, i32) {
    %c0_i32 = arith.constant 0 : i32
    %c0_i32_0 = arith.constant 0 : i32
    return %arg0, %c0_i32 : i32, i32
  }
  func.func @transform_1(%arg0: i32) -> (i32, i32) {
    %c0_i32 = arith.constant 0 : i32
    %c0_i32_0 = arith.constant 0 : i32
    %c0_i32_1 = arith.constant 0 : i32
    return %c0_i32, %c0_i32_0 : i32, i32
  }
  func.func @transform_2(%arg0: i32) -> (i32, i32) {
    %c0_i32 = arith.constant 0 : i32
    %c0_i32_0 = arith.constant 0 : i32
    return %arg0, %c0_i32 : i32, i32
  }
  func.func @transform_3(%arg0: i32) -> (i32, i32) {
    %c0_i32 = arith.constant 0 : i32
    %c0_i32_0 = arith.constant 0 : i32
    %c0_i32_1 = arith.constant 0 : i32
    return %c0_i32, %c0_i32_0 : i32, i32
  }
  func.func @transform_4(%arg0: i32) -> (i32, i32) {
    %c0_i32 = arith.constant 0 : i32
    %c0_i32_0 = arith.constant 0 : i32
    return %arg0, %c0_i32 : i32, i32
  }
}

module attributes {stable_mosaic.version = 14 : i64} {
  func.func @_gc_body(%arg0: memref<9x4096x48xf32, #tpu.memory_space<vmem>>, %arg1: memref<4096x48xf32, #tpu.memory_space<vmem>>, %arg2: memref<96x96xf32, #tpu.memory_space<vmem>>, %arg3: memref<1x96xf32, #tpu.memory_space<vmem>>, %arg4: memref<4096x96xf32, #tpu.memory_space<vmem>>) attributes {dimension_semantics = [], scalar_prefetch = 0 : i64, scratch_operands = 0 : i64, tpu.core_type = #tpu.core_type<tc>} {
    %get3A = arith.constant 0 : index
    %get3A_0 = arith.constant 0 : index
    %get3A_1 = vector.load %arg1[%get3A, %get3A_0] : memref<4096x48xf32, #tpu.memory_space<vmem>>, vector<4096x48xf32>
    %get3A_2 = arith.constant 0 : index
    %get3A_3 = arith.constant 0 : index
    %get3A_4 = arith.constant 0 : index
    %get3A_5 = vector.load %arg0[%get3A_2, %get3A_3, %get3A_4] : memref<9x4096x48xf32, #tpu.memory_space<vmem>>, vector<1x4096x48xf32>
    %get3A_6 = vector.shape_cast %get3A_5 : vector<1x4096x48xf32> to vector<4096x48xf32>
    %get3A_7 = arith.constant 1 : index
    %get3A_8 = arith.constant 0 : index
    %get3A_9 = arith.constant 0 : index
    %get3A_10 = vector.load %arg0[%get3A_7, %get3A_8, %get3A_9] : memref<9x4096x48xf32, #tpu.memory_space<vmem>>, vector<1x4096x48xf32>
    %get3A_11 = vector.shape_cast %get3A_10 : vector<1x4096x48xf32> to vector<4096x48xf32>
    %max3A = arith.maximumf %get3A_6, %get3A_11 : vector<4096x48xf32>
    %get3A_12 = arith.constant 2 : index
    %get3A_13 = arith.constant 0 : index
    %get3A_14 = arith.constant 0 : index
    %get3A_15 = vector.load %arg0[%get3A_12, %get3A_13, %get3A_14] : memref<9x4096x48xf32, #tpu.memory_space<vmem>>, vector<1x4096x48xf32>
    %get3A_16 = vector.shape_cast %get3A_15 : vector<1x4096x48xf32> to vector<4096x48xf32>
    %max3A_17 = arith.maximumf %max3A, %get3A_16 : vector<4096x48xf32>
    %get3A_18 = arith.constant 3 : index
    %get3A_19 = arith.constant 0 : index
    %get3A_20 = arith.constant 0 : index
    %get3A_21 = vector.load %arg0[%get3A_18, %get3A_19, %get3A_20] : memref<9x4096x48xf32, #tpu.memory_space<vmem>>, vector<1x4096x48xf32>
    %get3A_22 = vector.shape_cast %get3A_21 : vector<1x4096x48xf32> to vector<4096x48xf32>
    %max3A_23 = arith.maximumf %max3A_17, %get3A_22 : vector<4096x48xf32>
    %get3A_24 = arith.constant 4 : index
    %get3A_25 = arith.constant 0 : index
    %get3A_26 = arith.constant 0 : index
    %get3A_27 = vector.load %arg0[%get3A_24, %get3A_25, %get3A_26] : memref<9x4096x48xf32, #tpu.memory_space<vmem>>, vector<1x4096x48xf32>
    %get3A_28 = vector.shape_cast %get3A_27 : vector<1x4096x48xf32> to vector<4096x48xf32>
    %max3A_29 = arith.maximumf %max3A_23, %get3A_28 : vector<4096x48xf32>
    %get3A_30 = arith.constant 5 : index
    %get3A_31 = arith.constant 0 : index
    %get3A_32 = arith.constant 0 : index
    %get3A_33 = vector.load %arg0[%get3A_30, %get3A_31, %get3A_32] : memref<9x4096x48xf32, #tpu.memory_space<vmem>>, vector<1x4096x48xf32>
    %get3A_34 = vector.shape_cast %get3A_33 : vector<1x4096x48xf32> to vector<4096x48xf32>
    %max3A_35 = arith.maximumf %max3A_29, %get3A_34 : vector<4096x48xf32>
    %get3A_36 = arith.constant 6 : index
    %get3A_37 = arith.constant 0 : index
    %get3A_38 = arith.constant 0 : index
    %get3A_39 = vector.load %arg0[%get3A_36, %get3A_37, %get3A_38] : memref<9x4096x48xf32, #tpu.memory_space<vmem>>, vector<1x4096x48xf32>
    %get3A_40 = vector.shape_cast %get3A_39 : vector<1x4096x48xf32> to vector<4096x48xf32>
    %max3A_41 = arith.maximumf %max3A_35, %get3A_40 : vector<4096x48xf32>
    %get3A_42 = arith.constant 7 : index
    %get3A_43 = arith.constant 0 : index
    %get3A_44 = arith.constant 0 : index
    %get3A_45 = vector.load %arg0[%get3A_42, %get3A_43, %get3A_44] : memref<9x4096x48xf32, #tpu.memory_space<vmem>>, vector<1x4096x48xf32>
    %get3A_46 = vector.shape_cast %get3A_45 : vector<1x4096x48xf32> to vector<4096x48xf32>
    %max3A_47 = arith.maximumf %max3A_41, %get3A_46 : vector<4096x48xf32>
    %get3A_48 = arith.constant 8 : index
    %get3A_49 = arith.constant 0 : index
    %get3A_50 = arith.constant 0 : index
    %get3A_51 = vector.load %arg0[%get3A_48, %get3A_49, %get3A_50] : memref<9x4096x48xf32, #tpu.memory_space<vmem>>, vector<1x4096x48xf32>
    %get3A_52 = vector.shape_cast %get3A_51 : vector<1x4096x48xf32> to vector<4096x48xf32>
    %max3A_53 = arith.maximumf %max3A_47, %get3A_52 : vector<4096x48xf32>
    %sub3A = arith.subf %max3A_53, %get3A_1 : vector<4096x48xf32>
    %concatenate3A = tpu.concatenate %get3A_1, %sub3A in 1 : vector<4096x48xf32>, vector<4096x48xf32> -> vector<4096x96xf32>
    %get3A_54 = arith.constant 0 : index
    %get3A_55 = arith.constant 0 : index
    %get3A_56 = vector.load %arg2[%get3A_54, %get3A_55] : memref<96x96xf32, #tpu.memory_space<vmem>>, vector<96x96xf32>
    %convert_element_type3A = arith.truncf %concatenate3A : vector<4096x96xf32> to vector<4096x96xbf16>
    %convert_element_type3A_57 = arith.truncf %get3A_56 : vector<96x96xf32> to vector<96x96xbf16>
    %dot_general3A = arith.constant dense<0.000000e+00> : vector<4096x96xf32>
    %dot_general3A_58 = tpu.matmul %convert_element_type3A, %convert_element_type3A_57, %dot_general3A {dimension_numbers = #tpu.dot_dimension_numbers<[1], [0], [0], [1], [0, 0, 1, 1], [], []>, transpose_lhs_hint = false} : vector<4096x96xbf16>, vector<96x96xbf16>, vector<4096x96xf32> -> vector<4096x96xf32>
    %get3A_59 = arith.constant 0 : index
    %get3A_60 = arith.constant 0 : index
    %get3A_61 = vector.load %arg3[%get3A_59, %get3A_60] : memref<1x96xf32, #tpu.memory_space<vmem>>, vector<1x96xf32>
    %add3A = vector.broadcast %get3A_61 : vector<1x96xf32> to vector<4096x96xf32>
    %add3A_62 = arith.addf %dot_general3A_58, %add3A : vector<4096x96xf32>
    %swap3A = arith.constant 0 : index
    %swap3A_63 = arith.constant 0 : index
    %swap3A_64 = vector.load %arg4[%swap3A, %swap3A_63] : memref<4096x96xf32, #tpu.memory_space<vmem>>, vector<4096x96xf32>
    tpu.vector_store %arg4[%swap3A, %swap3A_63], %add3A_62 {strides = array<i32>} : memref<4096x96xf32, #tpu.memory_space<vmem>>, vector<4096x96xf32>,
    return
  }
}

module attributes {stable_mosaic.version = 14 : i64} {
  func.func @_bnmm_body(%arg0: memref<4096x96xf32, #tpu.memory_space<vmem>>, %arg1: memref<1x96xf32, #tpu.memory_space<vmem>>, %arg2: memref<1x96xf32, #tpu.memory_space<vmem>>, %arg3: memref<1x96xf32, #tpu.memory_space<vmem>>, %arg4: memref<1x96xf32, #tpu.memory_space<vmem>>, %arg5: memref<96x48xf32, #tpu.memory_space<vmem>>, %arg6: memref<1x48xf32, #tpu.memory_space<vmem>>, %arg7: memref<4096x96xf32, #tpu.memory_space<vmem>>, %arg8: memref<4096x48xf32, #tpu.memory_space<vmem>>) attributes {dimension_semantics = [], scalar_prefetch = 0 : i64, scratch_operands = 0 : i64, tpu.core_type = #tpu.core_type<tc>} {
    %get3A = arith.constant 0 : index
    %get3A_0 = arith.constant 0 : index
    %get3A_1 = vector.load %arg0[%get3A, %get3A_0] : memref<4096x96xf32, #tpu.memory_space<vmem>>, vector<4096x96xf32>
    %get3A_2 = arith.constant 0 : index
    %get3A_3 = arith.constant 0 : index
    %get3A_4 = vector.load %arg1[%get3A_2, %get3A_3] : memref<1x96xf32, #tpu.memory_space<vmem>>, vector<1x96xf32>
    %sub3A = vector.broadcast %get3A_4 : vector<1x96xf32> to vector<4096x96xf32>
    %sub3A_5 = arith.subf %get3A_1, %sub3A : vector<4096x96xf32>
    %get3A_6 = arith.constant 0 : index
    %get3A_7 = arith.constant 0 : index
    %get3A_8 = vector.load %arg2[%get3A_6, %get3A_7] : memref<1x96xf32, #tpu.memory_space<vmem>>, vector<1x96xf32>
    %div3A = vector.broadcast %get3A_8 : vector<1x96xf32> to vector<4096x96xf32>
    %div3A_9 = arith.divf %sub3A_5, %div3A : vector<4096x96xf32>
    %get3A_10 = arith.constant 0 : index
    %get3A_11 = arith.constant 0 : index
    %get3A_12 = vector.load %arg3[%get3A_10, %get3A_11] : memref<1x96xf32, #tpu.memory_space<vmem>>, vector<1x96xf32>
    %mul3A = vector.broadcast %get3A_12 : vector<1x96xf32> to vector<4096x96xf32>
    %mul3A_13 = arith.mulf %div3A_9, %mul3A : vector<4096x96xf32>
    %get3A_14 = arith.constant 0 : index
    %get3A_15 = arith.constant 0 : index
    %get3A_16 = vector.load %arg4[%get3A_14, %get3A_15] : memref<1x96xf32, #tpu.memory_space<vmem>>, vector<1x96xf32>
    %add3A = vector.broadcast %get3A_16 : vector<1x96xf32> to vector<4096x96xf32>
    %add3A_17 = arith.addf %mul3A_13, %add3A : vector<4096x96xf32>
    %max3A = arith.constant 0.000000e+00 : f32
    %max3A_18 = vector.broadcast %max3A : f32 to vector<4096x96xf32>
    %max3A_19 = arith.maximumf %add3A_17, %max3A_18 : vector<4096x96xf32>
    %swap3A = arith.constant 0 : index
    %swap3A_20 = arith.constant 0 : index
    %swap3A_21 = vector.load %arg7[%swap3A, %swap3A_20] : memref<4096x96xf32, #tpu.memory_space<vmem>>, vector<4096x96xf32>
    tpu.vector_store %arg7[%swap3A, %swap3A_20], %max3A_19 {strides = array<i32>} : memref<4096x96xf32, #tpu.memory_space<vmem>>, vector<4096x96xf32>,
    %get3A_22 = arith.constant 0 : index
    %get3A_23 = arith.constant 0 : index
    %get3A_24 = vector.load %arg5[%get3A_22, %get3A_23] : memref<96x48xf32, #tpu.memory_space<vmem>>, vector<96x48xf32>
    %convert_element_type3A = arith.truncf %max3A_19 : vector<4096x96xf32> to vector<4096x96xbf16>
    %convert_element_type3A_25 = arith.truncf %get3A_24 : vector<96x48xf32> to vector<96x48xbf16>
    %dot_general3A = arith.constant dense<0.000000e+00> : vector<4096x48xf32>
    %dot_general3A_26 = tpu.matmul %convert_element_type3A, %convert_element_type3A_25, %dot_general3A {dimension_numbers = #tpu.dot_dimension_numbers<[1], [0], [0], [1], [0, 0, 1, 1], [], []>, transpose_lhs_hint = false} : vector<4096x96xbf16>, vector<96x48xbf16>, vector<4096x48xf32> -> vector<4096x48xf32>
    %get3A_27 = arith.constant 0 : index
    %get3A_28 = arith.constant 0 : index
    %get3A_29 = vector.load %arg6[%get3A_27, %get3A_28] : memref<1x48xf32, #tpu.memory_space<vmem>>, vector<1x48xf32>
    %add3A_30 = vector.broadcast %get3A_29 : vector<1x48xf32> to vector<4096x48xf32>
    %add3A_31 = arith.addf %dot_general3A_26, %add3A_30 : vector<4096x48xf32>
    %swap3A_32 = arith.constant 0 : index
    %swap3A_33 = arith.constant 0 : index
    %swap3A_34 = vector.load %arg8[%swap3A_32, %swap3A_33] : memref<4096x48xf32, #tpu.memory_space<vmem>>, vector<4096x48xf32>
    tpu.vector_store %arg8[%swap3A_32, %swap3A_33], %add3A_31 {strides = array<i32>} : memref<4096x48xf32, #tpu.memory_space<vmem>>, vector<4096x48xf32>,
    return
  }
}

module attributes {stable_mosaic.version = 14 : i64} {
  func.func @_out_body(%arg0: memref<4096x48xf32, #tpu.memory_space<vmem>>, %arg1: memref<1x48xf32, #tpu.memory_space<vmem>>, %arg2: memref<1x48xf32, #tpu.memory_space<vmem>>, %arg3: memref<1x48xf32, #tpu.memory_space<vmem>>, %arg4: memref<1x48xf32, #tpu.memory_space<vmem>>, %arg5: memref<4096x48xf32, #tpu.memory_space<vmem>>, %arg6: memref<4096x48xf32, #tpu.memory_space<vmem>>) attributes {dimension_semantics = [], scalar_prefetch = 0 : i64, scratch_operands = 0 : i64, tpu.core_type = #tpu.core_type<tc>} {
    %get3A = arith.constant 0 : index
    %get3A_0 = arith.constant 0 : index
    %get3A_1 = vector.load %arg0[%get3A, %get3A_0] : memref<4096x48xf32, #tpu.memory_space<vmem>>, vector<4096x48xf32>
    %get3A_2 = arith.constant 0 : index
    %get3A_3 = arith.constant 0 : index
    %get3A_4 = vector.load %arg1[%get3A_2, %get3A_3] : memref<1x48xf32, #tpu.memory_space<vmem>>, vector<1x48xf32>
    %sub3A = vector.broadcast %get3A_4 : vector<1x48xf32> to vector<4096x48xf32>
    %sub3A_5 = arith.subf %get3A_1, %sub3A : vector<4096x48xf32>
    %get3A_6 = arith.constant 0 : index
    %get3A_7 = arith.constant 0 : index
    %get3A_8 = vector.load %arg2[%get3A_6, %get3A_7] : memref<1x48xf32, #tpu.memory_space<vmem>>, vector<1x48xf32>
    %div3A = vector.broadcast %get3A_8 : vector<1x48xf32> to vector<4096x48xf32>
    %div3A_9 = arith.divf %sub3A_5, %div3A : vector<4096x48xf32>
    %get3A_10 = arith.constant 0 : index
    %get3A_11 = arith.constant 0 : index
    %get3A_12 = vector.load %arg3[%get3A_10, %get3A_11] : memref<1x48xf32, #tpu.memory_space<vmem>>, vector<1x48xf32>
    %mul3A = vector.broadcast %get3A_12 : vector<1x48xf32> to vector<4096x48xf32>
    %mul3A_13 = arith.mulf %div3A_9, %mul3A : vector<4096x48xf32>
    %get3A_14 = arith.constant 0 : index
    %get3A_15 = arith.constant 0 : index
    %get3A_16 = vector.load %arg4[%get3A_14, %get3A_15] : memref<1x48xf32, #tpu.memory_space<vmem>>, vector<1x48xf32>
    %add3A = vector.broadcast %get3A_16 : vector<1x48xf32> to vector<4096x48xf32>
    %add3A_17 = arith.addf %mul3A_13, %add3A : vector<4096x48xf32>
    %get3A_18 = arith.constant 0 : index
    %get3A_19 = arith.constant 0 : index
    %get3A_20 = vector.load %arg5[%get3A_18, %get3A_19] : memref<4096x48xf32, #tpu.memory_space<vmem>>, vector<4096x48xf32>
    %add3A_21 = arith.addf %add3A_17, %get3A_20 : vector<4096x48xf32>
    %max3A = arith.constant 0.000000e+00 : f32
    %max3A_22 = vector.broadcast %max3A : f32 to vector<4096x48xf32>
    %max3A_23 = arith.maximumf %add3A_21, %max3A_22 : vector<4096x48xf32>
    %swap3A = arith.constant 0 : index
    %swap3A_24 = arith.constant 0 : index
    %swap3A_25 = vector.load %arg6[%swap3A, %swap3A_24] : memref<4096x48xf32, #tpu.memory_space<vmem>>, vector<4096x48xf32>
    tpu.vector_store %arg6[%swap3A, %swap3A_24], %max3A_23 {strides = array<i32>} : memref<4096x48xf32, #tpu.memory_space<vmem>>, vector<4096x48xf32>,
    return
  }
}

module attributes {stable_mosaic.version = 14 : i64} {
  func.func @_conv_body(%arg0: memref<512x384xf32, #tpu.memory_space<vmem>>, %arg1: memref<384x96xf32, #tpu.memory_space<vmem>>, %arg2: memref<1x96xf32, #tpu.memory_space<vmem>>, %arg3: memref<512x96xf32, #tpu.memory_space<vmem>>) attributes {dimension_semantics = [], scalar_prefetch = 0 : i64, scratch_operands = 0 : i64, tpu.core_type = #tpu.core_type<tc>} {
    %get3A = arith.constant 0 : index
    %get3A_0 = arith.constant 0 : index
    %get3A_1 = vector.load %arg0[%get3A, %get3A_0] : memref<512x384xf32, #tpu.memory_space<vmem>>, vector<512x384xf32>
    %get3A_2 = arith.constant 0 : index
    %get3A_3 = arith.constant 0 : index
    %get3A_4 = vector.load %arg1[%get3A_2, %get3A_3] : memref<384x96xf32, #tpu.memory_space<vmem>>, vector<384x96xf32>
    %convert_element_type3A = arith.truncf %get3A_1 : vector<512x384xf32> to vector<512x384xbf16>
    %convert_element_type3A_5 = arith.truncf %get3A_4 : vector<384x96xf32> to vector<384x96xbf16>
    %dot_general3A = arith.constant dense<0.000000e+00> : vector<512x96xf32>
    %dot_general3A_6 = tpu.matmul %convert_element_type3A, %convert_element_type3A_5, %dot_general3A {dimension_numbers = #tpu.dot_dimension_numbers<[1], [0], [0], [1], [0, 0, 1, 1], [], []>, transpose_lhs_hint = false} : vector<512x384xbf16>, vector<384x96xbf16>, vector<512x96xf32> -> vector<512x96xf32>
    %get3A_7 = arith.constant 0 : index
    %get3A_8 = arith.constant 0 : index
    %get3A_9 = vector.load %arg2[%get3A_7, %get3A_8] : memref<1x96xf32, #tpu.memory_space<vmem>>, vector<1x96xf32>
    %add3A = vector.broadcast %get3A_9 : vector<1x96xf32> to vector<512x96xf32>
    %add3A_10 = arith.addf %dot_general3A_6, %add3A : vector<512x96xf32>
    %swap3A = arith.constant 0 : index
    %swap3A_11 = arith.constant 0 : index
    %swap3A_12 = vector.load %arg3[%swap3A, %swap3A_11] : memref<512x96xf32, #tpu.memory_space<vmem>>, vector<512x96xf32>
    tpu.vector_store %arg3[%swap3A, %swap3A_11], %add3A_10 {strides = array<i32>} : memref<512x96xf32, #tpu.memory_space<vmem>>, vector<512x96xf32>,
    return
  }
}

module attributes {stable_mosaic.version = 14 : i64} {
  func.func @_bnmm_body(%arg0: memref<512x96xf32, #tpu.memory_space<vmem>>, %arg1: memref<1x96xf32, #tpu.memory_space<vmem>>, %arg2: memref<1x96xf32, #tpu.memory_space<vmem>>, %arg3: memref<1x96xf32, #tpu.memory_space<vmem>>, %arg4: memref<1x96xf32, #tpu.memory_space<vmem>>, %arg5: memref<96x96xf32, #tpu.memory_space<vmem>>, %arg6: memref<1x96xf32, #tpu.memory_space<vmem>>, %arg7: memref<512x96xf32, #tpu.memory_space<vmem>>, %arg8: memref<512x96xf32, #tpu.memory_space<vmem>>) attributes {dimension_semantics = [], scalar_prefetch = 0 : i64, scratch_operands = 0 : i64, tpu.core_type = #tpu.core_type<tc>} {
    %get3A = arith.constant 0 : index
    %get3A_0 = arith.constant 0 : index
    %get3A_1 = vector.load %arg0[%get3A, %get3A_0] : memref<512x96xf32, #tpu.memory_space<vmem>>, vector<512x96xf32>
    %get3A_2 = arith.constant 0 : index
    %get3A_3 = arith.constant 0 : index
    %get3A_4 = vector.load %arg1[%get3A_2, %get3A_3] : memref<1x96xf32, #tpu.memory_space<vmem>>, vector<1x96xf32>
    %sub3A = vector.broadcast %get3A_4 : vector<1x96xf32> to vector<512x96xf32>
    %sub3A_5 = arith.subf %get3A_1, %sub3A : vector<512x96xf32>
    %get3A_6 = arith.constant 0 : index
    %get3A_7 = arith.constant 0 : index
    %get3A_8 = vector.load %arg2[%get3A_6, %get3A_7] : memref<1x96xf32, #tpu.memory_space<vmem>>, vector<1x96xf32>
    %div3A = vector.broadcast %get3A_8 : vector<1x96xf32> to vector<512x96xf32>
    %div3A_9 = arith.divf %sub3A_5, %div3A : vector<512x96xf32>
    %get3A_10 = arith.constant 0 : index
    %get3A_11 = arith.constant 0 : index
    %get3A_12 = vector.load %arg3[%get3A_10, %get3A_11] : memref<1x96xf32, #tpu.memory_space<vmem>>, vector<1x96xf32>
    %mul3A = vector.broadcast %get3A_12 : vector<1x96xf32> to vector<512x96xf32>
    %mul3A_13 = arith.mulf %div3A_9, %mul3A : vector<512x96xf32>
    %get3A_14 = arith.constant 0 : index
    %get3A_15 = arith.constant 0 : index
    %get3A_16 = vector.load %arg4[%get3A_14, %get3A_15] : memref<1x96xf32, #tpu.memory_space<vmem>>, vector<1x96xf32>
    %add3A = vector.broadcast %get3A_16 : vector<1x96xf32> to vector<512x96xf32>
    %add3A_17 = arith.addf %mul3A_13, %add3A : vector<512x96xf32>
    %max3A = arith.constant 0.000000e+00 : f32
    %max3A_18 = vector.broadcast %max3A : f32 to vector<512x96xf32>
    %max3A_19 = arith.maximumf %add3A_17, %max3A_18 : vector<512x96xf32>
    %swap3A = arith.constant 0 : index
    %swap3A_20 = arith.constant 0 : index
    %swap3A_21 = vector.load %arg7[%swap3A, %swap3A_20] : memref<512x96xf32, #tpu.memory_space<vmem>>, vector<512x96xf32>
    tpu.vector_store %arg7[%swap3A, %swap3A_20], %max3A_19 {strides = array<i32>} : memref<512x96xf32, #tpu.memory_space<vmem>>, vector<512x96xf32>,
    %get3A_22 = arith.constant 0 : index
    %get3A_23 = arith.constant 0 : index
    %get3A_24 = vector.load %arg5[%get3A_22, %get3A_23] : memref<96x96xf32, #tpu.memory_space<vmem>>, vector<96x96xf32>
    %convert_element_type3A = arith.truncf %max3A_19 : vector<512x96xf32> to vector<512x96xbf16>
    %convert_element_type3A_25 = arith.truncf %get3A_24 : vector<96x96xf32> to vector<96x96xbf16>
    %dot_general3A = arith.constant dense<0.000000e+00> : vector<512x96xf32>
    %dot_general3A_26 = tpu.matmul %convert_element_type3A, %convert_element_type3A_25, %dot_general3A {dimension_numbers = #tpu.dot_dimension_numbers<[1], [0], [0], [1], [0, 0, 1, 1], [], []>, transpose_lhs_hint = false} : vector<512x96xbf16>, vector<96x96xbf16>, vector<512x96xf32> -> vector<512x96xf32>
    %get3A_27 = arith.constant 0 : index
    %get3A_28 = arith.constant 0 : index
    %get3A_29 = vector.load %arg6[%get3A_27, %get3A_28] : memref<1x96xf32, #tpu.memory_space<vmem>>, vector<1x96xf32>
    %add3A_30 = vector.broadcast %get3A_29 : vector<1x96xf32> to vector<512x96xf32>
    %add3A_31 = arith.addf %dot_general3A_26, %add3A_30 : vector<512x96xf32>
    %swap3A_32 = arith.constant 0 : index
    %swap3A_33 = arith.constant 0 : index
    %swap3A_34 = vector.load %arg8[%swap3A_32, %swap3A_33] : memref<512x96xf32, #tpu.memory_space<vmem>>, vector<512x96xf32>
    tpu.vector_store %arg8[%swap3A_32, %swap3A_33], %add3A_31 {strides = array<i32>} : memref<512x96xf32, #tpu.memory_space<vmem>>, vector<512x96xf32>,
    return
  }
}

module attributes {stable_mosaic.version = 14 : i64} {
  func.func @_bn_body(%arg0: memref<512x96xf32, #tpu.memory_space<vmem>>, %arg1: memref<1x96xf32, #tpu.memory_space<vmem>>, %arg2: memref<1x96xf32, #tpu.memory_space<vmem>>, %arg3: memref<1x96xf32, #tpu.memory_space<vmem>>, %arg4: memref<1x96xf32, #tpu.memory_space<vmem>>, %arg5: memref<512x96xf32, #tpu.memory_space<vmem>>) attributes {dimension_semantics = [], scalar_prefetch = 0 : i64, scratch_operands = 0 : i64, tpu.core_type = #tpu.core_type<tc>} {
    %get3A = arith.constant 0 : index
    %get3A_0 = arith.constant 0 : index
    %get3A_1 = vector.load %arg0[%get3A, %get3A_0] : memref<512x96xf32, #tpu.memory_space<vmem>>, vector<512x96xf32>
    %get3A_2 = arith.constant 0 : index
    %get3A_3 = arith.constant 0 : index
    %get3A_4 = vector.load %arg1[%get3A_2, %get3A_3] : memref<1x96xf32, #tpu.memory_space<vmem>>, vector<1x96xf32>
    %sub3A = vector.broadcast %get3A_4 : vector<1x96xf32> to vector<512x96xf32>
    %sub3A_5 = arith.subf %get3A_1, %sub3A : vector<512x96xf32>
    %get3A_6 = arith.constant 0 : index
    %get3A_7 = arith.constant 0 : index
    %get3A_8 = vector.load %arg2[%get3A_6, %get3A_7] : memref<1x96xf32, #tpu.memory_space<vmem>>, vector<1x96xf32>
    %div3A = vector.broadcast %get3A_8 : vector<1x96xf32> to vector<512x96xf32>
    %div3A_9 = arith.divf %sub3A_5, %div3A : vector<512x96xf32>
    %get3A_10 = arith.constant 0 : index
    %get3A_11 = arith.constant 0 : index
    %get3A_12 = vector.load %arg3[%get3A_10, %get3A_11] : memref<1x96xf32, #tpu.memory_space<vmem>>, vector<1x96xf32>
    %mul3A = vector.broadcast %get3A_12 : vector<1x96xf32> to vector<512x96xf32>
    %mul3A_13 = arith.mulf %div3A_9, %mul3A : vector<512x96xf32>
    %get3A_14 = arith.constant 0 : index
    %get3A_15 = arith.constant 0 : index
    %get3A_16 = vector.load %arg4[%get3A_14, %get3A_15] : memref<1x96xf32, #tpu.memory_space<vmem>>, vector<1x96xf32>
    %add3A = vector.broadcast %get3A_16 : vector<1x96xf32> to vector<512x96xf32>
    %add3A_17 = arith.addf %mul3A_13, %add3A : vector<512x96xf32>
    %swap3A = arith.constant 0 : index
    %swap3A_18 = arith.constant 0 : index
    %swap3A_19 = vector.load %arg5[%swap3A, %swap3A_18] : memref<512x96xf32, #tpu.memory_space<vmem>>, vector<512x96xf32>
    tpu.vector_store %arg5[%swap3A, %swap3A_18], %add3A_17 {strides = array<i32>} : memref<512x96xf32, #tpu.memory_space<vmem>>, vector<512x96xf32>,
    return
  }
}

module attributes {stable_mosaic.version = 14 : i64} {
  func.func @_knn_body(%arg0: i32, %arg1: memref<256x96xf32, #tpu.memory_space<vmem>>, %arg2: memref<96x512xf32, #tpu.memory_space<vmem>>, %arg3: memref<256x1xf32, #tpu.memory_space<vmem>>, %arg4: memref<1x512xf32, #tpu.memory_space<vmem>>, %arg5: memref<256x9xi32, #tpu.memory_space<vmem>>) attributes {dimension_semantics = [#tpu.dimension_semantics<arbitrary>], iteration_bounds = array<i64: 2>, scalar_prefetch = 0 : i64, scratch_operands = 0 : i64, tpu.core_type = #tpu.core_type<tc>, window_params = [{transform_indices = @transform_0, window_bounds = array<i64: 256, 96>}, {pipeline_mode = #tpu.pipeline_mode<synchronous>, transform_indices = @transform_1, window_bounds = array<i64: 96, 512>}, {transform_indices = @transform_2, window_bounds = array<i64: 256, 1>}, {pipeline_mode = #tpu.pipeline_mode<synchronous>, transform_indices = @transform_3, window_bounds = array<i64: 1, 512>}, {transform_indices = @transform_4, window_bounds = array<i64: 256, 9>}]} {
    %get3A = arith.constant 0 : index
    %get3A_0 = arith.constant 0 : index
    %get3A_1 = vector.load %arg1[%get3A, %get3A_0] : memref<256x96xf32, #tpu.memory_space<vmem>>, vector<256x96xf32>
    %get3A_2 = arith.constant 0 : index
    %get3A_3 = arith.constant 0 : index
    %get3A_4 = vector.load %arg2[%get3A_2, %get3A_3] : memref<96x512xf32, #tpu.memory_space<vmem>>, vector<96x512xf32>
    %convert_element_type3A = arith.truncf %get3A_1 : vector<256x96xf32> to vector<256x96xbf16>
    %convert_element_type3A_5 = arith.truncf %get3A_4 : vector<96x512xf32> to vector<96x512xbf16>
    %dot_general3A = arith.constant dense<0.000000e+00> : vector<256x512xf32>
    %dot_general3A_6 = tpu.matmul %convert_element_type3A, %convert_element_type3A_5, %dot_general3A {dimension_numbers = #tpu.dot_dimension_numbers<[1], [0], [0], [1], [0, 0, 1, 1], [], []>, transpose_lhs_hint = false} : vector<256x96xbf16>, vector<96x512xbf16>, vector<256x512xf32> -> vector<256x512xf32>
    %get3A_7 = arith.constant 0 : index
    %get3A_8 = arith.constant 0 : index
    %get3A_9 = vector.load %arg3[%get3A_7, %get3A_8] : memref<256x1xf32, #tpu.memory_space<vmem>>, vector<256x1xf32>
    %get3A_10 = arith.constant 0 : index
    %get3A_11 = arith.constant 0 : index
    %get3A_12 = vector.load %arg4[%get3A_10, %get3A_11] : memref<1x512xf32, #tpu.memory_space<vmem>>, vector<1x512xf32>
    %add3A = vector.broadcast %get3A_9 : vector<256x1xf32> to vector<256x512xf32>
    %add3A_13 = vector.broadcast %get3A_12 : vector<1x512xf32> to vector<256x512xf32>
    %add3A_14 = arith.addf %add3A, %add3A_13 : vector<256x512xf32>
    %mul3A = arith.constant 2.000000e+00 : f32
    %mul3A_15 = vector.broadcast %mul3A : f32 to vector<256x512xf32>
    %mul3A_16 = arith.mulf %mul3A_15, %dot_general3A_6 : vector<256x512xf32>
    %sub3A = arith.subf %add3A_14, %mul3A_16 : vector<256x512xf32>
    %iota3A = tpu.iota {dimensions = array<i32: 1>} : vector<256x512xi32>
    %reduce_min3A = arith.constant dense<0x7F800000> : vector<256xf32>
    %reduce_min3A_17 = vector.multi_reduction <minimumf>, %sub3A, %reduce_min3A [1] : vector<256x512xf32> to vector<256xf32>
    %broadcast_in_dim3A = vector.shape_cast %reduce_min3A_17 : vector<256xf32> to vector<256x1xf32>
    %eq3A = vector.broadcast %broadcast_in_dim3A : vector<256x1xf32> to vector<256x512xf32>
    %eq3A_18 = arith.cmpf oeq, %sub3A, %eq3A : vector<256x512xf32>
    %jit3A = arith.constant 1073741824 : i32
    %broadcast_in_dim3A_19 = vector.broadcast %jit3A : i32 to vector<256x512xi32>
    %select_n3A = arith.select %eq3A_18, %iota3A, %broadcast_in_dim3A_19 : vector<256x512xi1>, vector<256x512xi32>
    %reduce_min3A_20 = arith.constant dense<2147483647> : vector<256xi32>
    %reduce_min3A_21 = vector.multi_reduction <minsi>, %select_n3A, %reduce_min3A_20 [1] : vector<256x512xi32> to vector<256xi32>
    %broadcast_in_dim3A_22 = vector.shape_cast %reduce_min3A_21 : vector<256xi32> to vector<256x1xi32>
    %eq3A_23 = vector.broadcast %broadcast_in_dim3A_22 : vector<256x1xi32> to vector<256x512xi32>
    %eq3A_24 = arith.cmpi eq, %iota3A, %eq3A_23 : vector<256x512xi32>
    %jit3A_25 = arith.constant 0x7F800000 : f32
    %broadcast_in_dim3A_26 = vector.broadcast %jit3A_25 : f32 to vector<256x512xf32>
    %select_n3A_27 = arith.select %eq3A_24, %broadcast_in_dim3A_26, %sub3A : vector<256x512xi1>, vector<256x512xf32>
    %reduce_min3A_28 = arith.constant dense<0x7F800000> : vector<256xf32>
    %reduce_min3A_29 = vector.multi_reduction <minimumf>, %select_n3A_27, %reduce_min3A_28 [1] : vector<256x512xf32> to vector<256xf32>
    %broadcast_in_dim3A_30 = vector.shape_cast %reduce_min3A_29 : vector<256xf32> to vector<256x1xf32>
    %eq3A_31 = vector.broadcast %broadcast_in_dim3A_30 : vector<256x1xf32> to vector<256x512xf32>
    %eq3A_32 = arith.cmpf oeq, %select_n3A_27, %eq3A_31 : vector<256x512xf32>
    %jit3A_33 = arith.constant 1073741824 : i32
    %broadcast_in_dim3A_34 = vector.broadcast %jit3A_33 : i32 to vector<256x512xi32>
    %select_n3A_35 = arith.select %eq3A_32, %iota3A, %broadcast_in_dim3A_34 : vector<256x512xi1>, vector<256x512xi32>
    %reduce_min3A_36 = arith.constant dense<2147483647> : vector<256xi32>
    %reduce_min3A_37 = vector.multi_reduction <minsi>, %select_n3A_35, %reduce_min3A_36 [1] : vector<256x512xi32> to vector<256xi32>
    %broadcast_in_dim3A_38 = vector.shape_cast %reduce_min3A_37 : vector<256xi32> to vector<256x1xi32>
    %eq3A_39 = vector.broadcast %broadcast_in_dim3A_38 : vector<256x1xi32> to vector<256x512xi32>
    %eq3A_40 = arith.cmpi eq, %iota3A, %eq3A_39 : vector<256x512xi32>
    %jit3A_41 = arith.constant 0x7F800000 : f32
    %broadcast_in_dim3A_42 = vector.broadcast %jit3A_41 : f32 to vector<256x512xf32>
    %select_n3A_43 = arith.select %eq3A_40, %broadcast_in_dim3A_42, %select_n3A_27 : vector<256x512xi1>, vector<256x512xf32>
    %reduce_min3A_44 = arith.constant dense<0x7F800000> : vector<256xf32>
    %reduce_min3A_45 = vector.multi_reduction <minimumf>, %select_n3A_43, %reduce_min3A_44 [1] : vector<256x512xf32> to vector<256xf32>
    %broadcast_in_dim3A_46 = vector.shape_cast %reduce_min3A_45 : vector<256xf32> to vector<256x1xf32>
    %eq3A_47 = vector.broadcast %broadcast_in_dim3A_46 : vector<256x1xf32> to vector<256x512xf32>
    %eq3A_48 = arith.cmpf oeq, %select_n3A_43, %eq3A_47 : vector<256x512xf32>
    %jit3A_49 = arith.constant 1073741824 : i32
    %broadcast_in_dim3A_50 = vector.broadcast %jit3A_49 : i32 to vector<256x512xi32>
    %select_n3A_51 = arith.select %eq3A_48, %iota3A, %broadcast_in_dim3A_50 : vector<256x512xi1>, vector<256x512xi32>
    %reduce_min3A_52 = arith.constant dense<2147483647> : vector<256xi32>
    %reduce_min3A_53 = vector.multi_reduction <minsi>, %select_n3A_51, %reduce_min3A_52 [1] : vector<256x512xi32> to vector<256xi32>
    %broadcast_in_dim3A_54 = vector.shape_cast %reduce_min3A_53 : vector<256xi32> to vector<256x1xi32>
    %eq3A_55 = vector.broadcast %broadcast_in_dim3A_54 : vector<256x1xi32> to vector<256x512xi32>
    %eq3A_56 = arith.cmpi eq, %iota3A, %eq3A_55 : vector<256x512xi32>
    %jit3A_57 = arith.constant 0x7F800000 : f32
    %broadcast_in_dim3A_58 = vector.broadcast %jit3A_57 : f32 to vector<256x512xf32>
    %select_n3A_59 = arith.select %eq3A_56, %broadcast_in_dim3A_58, %select_n3A_43 : vector<256x512xi1>, vector<256x512xf32>
    %reduce_min3A_60 = arith.constant dense<0x7F800000> : vector<256xf32>
    %reduce_min3A_61 = vector.multi_reduction <minimumf>, %select_n3A_59, %reduce_min3A_60 [1] : vector<256x512xf32> to vector<256xf32>
    %broadcast_in_dim3A_62 = vector.shape_cast %reduce_min3A_61 : vector<256xf32> to vector<256x1xf32>
    %eq3A_63 = vector.broadcast %broadcast_in_dim3A_62 : vector<256x1xf32> to vector<256x512xf32>
    %eq3A_64 = arith.cmpf oeq, %select_n3A_59, %eq3A_63 : vector<256x512xf32>
    %jit3A_65 = arith.constant 1073741824 : i32
    %broadcast_in_dim3A_66 = vector.broadcast %jit3A_65 : i32 to vector<256x512xi32>
    %select_n3A_67 = arith.select %eq3A_64, %iota3A, %broadcast_in_dim3A_66 : vector<256x512xi1>, vector<256x512xi32>
    %reduce_min3A_68 = arith.constant dense<2147483647> : vector<256xi32>
    %reduce_min3A_69 = vector.multi_reduction <minsi>, %select_n3A_67, %reduce_min3A_68 [1] : vector<256x512xi32> to vector<256xi32>
    %broadcast_in_dim3A_70 = vector.shape_cast %reduce_min3A_69 : vector<256xi32> to vector<256x1xi32>
    %eq3A_71 = vector.broadcast %broadcast_in_dim3A_70 : vector<256x1xi32> to vector<256x512xi32>
    %eq3A_72 = arith.cmpi eq, %iota3A, %eq3A_71 : vector<256x512xi32>
    %jit3A_73 = arith.constant 0x7F800000 : f32
    %broadcast_in_dim3A_74 = vector.broadcast %jit3A_73 : f32 to vector<256x512xf32>
    %select_n3A_75 = arith.select %eq3A_72, %broadcast_in_dim3A_74, %select_n3A_59 : vector<256x512xi1>, vector<256x512xf32>
    %reduce_min3A_76 = arith.constant dense<0x7F800000> : vector<256xf32>
    %reduce_min3A_77 = vector.multi_reduction <minimumf>, %select_n3A_75, %reduce_min3A_76 [1] : vector<256x512xf32> to vector<256xf32>
    %broadcast_in_dim3A_78 = vector.shape_cast %reduce_min3A_77 : vector<256xf32> to vector<256x1xf32>
    %eq3A_79 = vector.broadcast %broadcast_in_dim3A_78 : vector<256x1xf32> to vector<256x512xf32>
    %eq3A_80 = arith.cmpf oeq, %select_n3A_75, %eq3A_79 : vector<256x512xf32>
    %jit3A_81 = arith.constant 1073741824 : i32
    %broadcast_in_dim3A_82 = vector.broadcast %jit3A_81 : i32 to vector<256x512xi32>
    %select_n3A_83 = arith.select %eq3A_80, %iota3A, %broadcast_in_dim3A_82 : vector<256x512xi1>, vector<256x512xi32>
    %reduce_min3A_84 = arith.constant dense<2147483647> : vector<256xi32>
    %reduce_min3A_85 = vector.multi_reduction <minsi>, %select_n3A_83, %reduce_min3A_84 [1] : vector<256x512xi32> to vector<256xi32>
    %broadcast_in_dim3A_86 = vector.shape_cast %reduce_min3A_85 : vector<256xi32> to vector<256x1xi32>
    %eq3A_87 = vector.broadcast %broadcast_in_dim3A_86 : vector<256x1xi32> to vector<256x512xi32>
    %eq3A_88 = arith.cmpi eq, %iota3A, %eq3A_87 : vector<256x512xi32>
    %jit3A_89 = arith.constant 0x7F800000 : f32
    %broadcast_in_dim3A_90 = vector.broadcast %jit3A_89 : f32 to vector<256x512xf32>
    %select_n3A_91 = arith.select %eq3A_88, %broadcast_in_dim3A_90, %select_n3A_75 : vector<256x512xi1>, vector<256x512xf32>
    %reduce_min3A_92 = arith.constant dense<0x7F800000> : vector<256xf32>
    %reduce_min3A_93 = vector.multi_reduction <minimumf>, %select_n3A_91, %reduce_min3A_92 [1] : vector<256x512xf32> to vector<256xf32>
    %broadcast_in_dim3A_94 = vector.shape_cast %reduce_min3A_93 : vector<256xf32> to vector<256x1xf32>
    %eq3A_95 = vector.broadcast %broadcast_in_dim3A_94 : vector<256x1xf32> to vector<256x512xf32>
    %eq3A_96 = arith.cmpf oeq, %select_n3A_91, %eq3A_95 : vector<256x512xf32>
    %jit3A_97 = arith.constant 1073741824 : i32
    %broadcast_in_dim3A_98 = vector.broadcast %jit3A_97 : i32 to vector<256x512xi32>
    %select_n3A_99 = arith.select %eq3A_96, %iota3A, %broadcast_in_dim3A_98 : vector<256x512xi1>, vector<256x512xi32>
    %reduce_min3A_100 = arith.constant dense<2147483647> : vector<256xi32>
    %reduce_min3A_101 = vector.multi_reduction <minsi>, %select_n3A_99, %reduce_min3A_100 [1] : vector<256x512xi32> to vector<256xi32>
    %broadcast_in_dim3A_102 = vector.shape_cast %reduce_min3A_101 : vector<256xi32> to vector<256x1xi32>
    %eq3A_103 = vector.broadcast %broadcast_in_dim3A_102 : vector<256x1xi32> to vector<256x512xi32>
    %eq3A_104 = arith.cmpi eq, %iota3A, %eq3A_103 : vector<256x512xi32>
    %jit3A_105 = arith.constant 0x7F800000 : f32
    %broadcast_in_dim3A_106 = vector.broadcast %jit3A_105 : f32 to vector<256x512xf32>
    %select_n3A_107 = arith.select %eq3A_104, %broadcast_in_dim3A_106, %select_n3A_91 : vector<256x512xi1>, vector<256x512xf32>
    %reduce_min3A_108 = arith.constant dense<0x7F800000> : vector<256xf32>
    %reduce_min3A_109 = vector.multi_reduction <minimumf>, %select_n3A_107, %reduce_min3A_108 [1] : vector<256x512xf32> to vector<256xf32>
    %broadcast_in_dim3A_110 = vector.shape_cast %reduce_min3A_109 : vector<256xf32> to vector<256x1xf32>
    %eq3A_111 = vector.broadcast %broadcast_in_dim3A_110 : vector<256x1xf32> to vector<256x512xf32>
    %eq3A_112 = arith.cmpf oeq, %select_n3A_107, %eq3A_111 : vector<256x512xf32>
    %jit3A_113 = arith.constant 1073741824 : i32
    %broadcast_in_dim3A_114 = vector.broadcast %jit3A_113 : i32 to vector<256x512xi32>
    %select_n3A_115 = arith.select %eq3A_112, %iota3A, %broadcast_in_dim3A_114 : vector<256x512xi1>, vector<256x512xi32>
    %reduce_min3A_116 = arith.constant dense<2147483647> : vector<256xi32>
    %reduce_min3A_117 = vector.multi_reduction <minsi>, %select_n3A_115, %reduce_min3A_116 [1] : vector<256x512xi32> to vector<256xi32>
    %broadcast_in_dim3A_118 = vector.shape_cast %reduce_min3A_117 : vector<256xi32> to vector<256x1xi32>
    %eq3A_119 = vector.broadcast %broadcast_in_dim3A_118 : vector<256x1xi32> to vector<256x512xi32>
    %eq3A_120 = arith.cmpi eq, %iota3A, %eq3A_119 : vector<256x512xi32>
    %jit3A_121 = arith.constant 0x7F800000 : f32
    %broadcast_in_dim3A_122 = vector.broadcast %jit3A_121 : f32 to vector<256x512xf32>
    %select_n3A_123 = arith.select %eq3A_120, %broadcast_in_dim3A_122, %select_n3A_107 : vector<256x512xi1>, vector<256x512xf32>
    %reduce_min3A_124 = arith.constant dense<0x7F800000> : vector<256xf32>
    %reduce_min3A_125 = vector.multi_reduction <minimumf>, %select_n3A_123, %reduce_min3A_124 [1] : vector<256x512xf32> to vector<256xf32>
    %broadcast_in_dim3A_126 = vector.shape_cast %reduce_min3A_125 : vector<256xf32> to vector<256x1xf32>
    %eq3A_127 = vector.broadcast %broadcast_in_dim3A_126 : vector<256x1xf32> to vector<256x512xf32>
    %eq3A_128 = arith.cmpf oeq, %select_n3A_123, %eq3A_127 : vector<256x512xf32>
    %jit3A_129 = arith.constant 1073741824 : i32
    %broadcast_in_dim3A_130 = vector.broadcast %jit3A_129 : i32 to vector<256x512xi32>
    %select_n3A_131 = arith.select %eq3A_128, %iota3A, %broadcast_in_dim3A_130 : vector<256x512xi1>, vector<256x512xi32>
    %reduce_min3A_132 = arith.constant dense<2147483647> : vector<256xi32>
    %reduce_min3A_133 = vector.multi_reduction <minsi>, %select_n3A_131, %reduce_min3A_132 [1] : vector<256x512xi32> to vector<256xi32>
    %broadcast_in_dim3A_134 = vector.shape_cast %reduce_min3A_133 : vector<256xi32> to vector<256x1xi32>
    %eq3A_135 = vector.broadcast %broadcast_in_dim3A_134 : vector<256x1xi32> to vector<256x512xi32>
    %eq3A_136 = arith.cmpi eq, %iota3A, %eq3A_135 : vector<256x512xi32>
    %jit3A_137 = arith.constant 0x7F800000 : f32
    %broadcast_in_dim3A_138 = vector.broadcast %jit3A_137 : f32 to vector<256x512xf32>
    %select_n3A_139 = arith.select %eq3A_136, %broadcast_in_dim3A_138, %select_n3A_123 : vector<256x512xi1>, vector<256x512xf32>
    %reduce_min3A_140 = arith.constant dense<0x7F800000> : vector<256xf32>
    %reduce_min3A_141 = vector.multi_reduction <minimumf>, %select_n3A_139, %reduce_min3A_140 [1] : vector<256x512xf32> to vector<256xf32>
    %broadcast_in_dim3A_142 = vector.shape_cast %reduce_min3A_141 : vector<256xf32> to vector<256x1xf32>
    %eq3A_143 = vector.broadcast %broadcast_in_dim3A_142 : vector<256x1xf32> to vector<256x512xf32>
    %eq3A_144 = arith.cmpf oeq, %select_n3A_139, %eq3A_143 : vector<256x512xf32>
    %jit3A_145 = arith.constant 1073741824 : i32
    %broadcast_in_dim3A_146 = vector.broadcast %jit3A_145 : i32 to vector<256x512xi32>
    %select_n3A_147 = arith.select %eq3A_144, %iota3A, %broadcast_in_dim3A_146 : vector<256x512xi1>, vector<256x512xi32>
    %reduce_min3A_148 = arith.constant dense<2147483647> : vector<256xi32>
    %reduce_min3A_149 = vector.multi_reduction <minsi>, %select_n3A_147, %reduce_min3A_148 [1] : vector<256x512xi32> to vector<256xi32>
    %broadcast_in_dim3A_150 = vector.shape_cast %reduce_min3A_149 : vector<256xi32> to vector<256x1xi32>
    %concatenate3A = tpu.concatenate %broadcast_in_dim3A_22, %broadcast_in_dim3A_38, %broadcast_in_dim3A_54, %broadcast_in_dim3A_70, %broadcast_in_dim3A_86, %broadcast_in_dim3A_102, %broadcast_in_dim3A_118, %broadcast_in_dim3A_134, %broadcast_in_dim3A_150 in 1 : vector<256x1xi32>, vector<256x1xi32>, vector<256x1xi32>, vector<256x1xi32>, vector<256x1xi32>, vector<256x1xi32>, vector<256x1xi32>, vector<256x1xi32>, vector<256x1xi32> -> vector<256x9xi32>
    %swap3A = arith.constant 0 : index
    %swap3A_151 = arith.constant 0 : index
    %swap3A_152 = vector.load %arg5[%swap3A, %swap3A_151] : memref<256x9xi32, #tpu.memory_space<vmem>>, vector<256x9xi32>
    tpu.vector_store %arg5[%swap3A, %swap3A_151], %concatenate3A {strides = array<i32>} : memref<256x9xi32, #tpu.memory_space<vmem>>, vector<256x9xi32>,
    return
  }
  func.func @transform_0(%arg0: i32) -> (i32, i32) {
    %c0_i32 = arith.constant 0 : i32
    %c0_i32_0 = arith.constant 0 : i32
    return %arg0, %c0_i32 : i32, i32
  }
  func.func @transform_1(%arg0: i32) -> (i32, i32) {
    %c0_i32 = arith.constant 0 : i32
    %c0_i32_0 = arith.constant 0 : i32
    %c0_i32_1 = arith.constant 0 : i32
    return %c0_i32, %c0_i32_0 : i32, i32
  }
  func.func @transform_2(%arg0: i32) -> (i32, i32) {
    %c0_i32 = arith.constant 0 : i32
    %c0_i32_0 = arith.constant 0 : i32
    return %arg0, %c0_i32 : i32, i32
  }
  func.func @transform_3(%arg0: i32) -> (i32, i32) {
    %c0_i32 = arith.constant 0 : i32
    %c0_i32_0 = arith.constant 0 : i32
    %c0_i32_1 = arith.constant 0 : i32
    return %c0_i32, %c0_i32_0 : i32, i32
  }
  func.func @transform_4(%arg0: i32) -> (i32, i32) {
    %c0_i32 = arith.constant 0 : i32
    %c0_i32_0 = arith.constant 0 : i32
    return %arg0, %c0_i32 : i32, i32
  }
}

module attributes {stable_mosaic.version = 14 : i64} {
  func.func @_gc_body(%arg0: memref<9x512x96xf32, #tpu.memory_space<vmem>>, %arg1: memref<512x96xf32, #tpu.memory_space<vmem>>, %arg2: memref<192x192xf32, #tpu.memory_space<vmem>>, %arg3: memref<1x192xf32, #tpu.memory_space<vmem>>, %arg4: memref<512x192xf32, #tpu.memory_space<vmem>>) attributes {dimension_semantics = [], scalar_prefetch = 0 : i64, scratch_operands = 0 : i64, tpu.core_type = #tpu.core_type<tc>} {
    %get3A = arith.constant 0 : index
    %get3A_0 = arith.constant 0 : index
    %get3A_1 = vector.load %arg1[%get3A, %get3A_0] : memref<512x96xf32, #tpu.memory_space<vmem>>, vector<512x96xf32>
    %get3A_2 = arith.constant 0 : index
    %get3A_3 = arith.constant 0 : index
    %get3A_4 = arith.constant 0 : index
    %get3A_5 = vector.load %arg0[%get3A_2, %get3A_3, %get3A_4] : memref<9x512x96xf32, #tpu.memory_space<vmem>>, vector<1x512x96xf32>
    %get3A_6 = vector.shape_cast %get3A_5 : vector<1x512x96xf32> to vector<512x96xf32>
    %get3A_7 = arith.constant 1 : index
    %get3A_8 = arith.constant 0 : index
    %get3A_9 = arith.constant 0 : index
    %get3A_10 = vector.load %arg0[%get3A_7, %get3A_8, %get3A_9] : memref<9x512x96xf32, #tpu.memory_space<vmem>>, vector<1x512x96xf32>
    %get3A_11 = vector.shape_cast %get3A_10 : vector<1x512x96xf32> to vector<512x96xf32>
    %max3A = arith.maximumf %get3A_6, %get3A_11 : vector<512x96xf32>
    %get3A_12 = arith.constant 2 : index
    %get3A_13 = arith.constant 0 : index
    %get3A_14 = arith.constant 0 : index
    %get3A_15 = vector.load %arg0[%get3A_12, %get3A_13, %get3A_14] : memref<9x512x96xf32, #tpu.memory_space<vmem>>, vector<1x512x96xf32>
    %get3A_16 = vector.shape_cast %get3A_15 : vector<1x512x96xf32> to vector<512x96xf32>
    %max3A_17 = arith.maximumf %max3A, %get3A_16 : vector<512x96xf32>
    %get3A_18 = arith.constant 3 : index
    %get3A_19 = arith.constant 0 : index
    %get3A_20 = arith.constant 0 : index
    %get3A_21 = vector.load %arg0[%get3A_18, %get3A_19, %get3A_20] : memref<9x512x96xf32, #tpu.memory_space<vmem>>, vector<1x512x96xf32>
    %get3A_22 = vector.shape_cast %get3A_21 : vector<1x512x96xf32> to vector<512x96xf32>
    %max3A_23 = arith.maximumf %max3A_17, %get3A_22 : vector<512x96xf32>
    %get3A_24 = arith.constant 4 : index
    %get3A_25 = arith.constant 0 : index
    %get3A_26 = arith.constant 0 : index
    %get3A_27 = vector.load %arg0[%get3A_24, %get3A_25, %get3A_26] : memref<9x512x96xf32, #tpu.memory_space<vmem>>, vector<1x512x96xf32>
    %get3A_28 = vector.shape_cast %get3A_27 : vector<1x512x96xf32> to vector<512x96xf32>
    %max3A_29 = arith.maximumf %max3A_23, %get3A_28 : vector<512x96xf32>
    %get3A_30 = arith.constant 5 : index
    %get3A_31 = arith.constant 0 : index
    %get3A_32 = arith.constant 0 : index
    %get3A_33 = vector.load %arg0[%get3A_30, %get3A_31, %get3A_32] : memref<9x512x96xf32, #tpu.memory_space<vmem>>, vector<1x512x96xf32>
    %get3A_34 = vector.shape_cast %get3A_33 : vector<1x512x96xf32> to vector<512x96xf32>
    %max3A_35 = arith.maximumf %max3A_29, %get3A_34 : vector<512x96xf32>
    %get3A_36 = arith.constant 6 : index
    %get3A_37 = arith.constant 0 : index
    %get3A_38 = arith.constant 0 : index
    %get3A_39 = vector.load %arg0[%get3A_36, %get3A_37, %get3A_38] : memref<9x512x96xf32, #tpu.memory_space<vmem>>, vector<1x512x96xf32>
    %get3A_40 = vector.shape_cast %get3A_39 : vector<1x512x96xf32> to vector<512x96xf32>
    %max3A_41 = arith.maximumf %max3A_35, %get3A_40 : vector<512x96xf32>
    %get3A_42 = arith.constant 7 : index
    %get3A_43 = arith.constant 0 : index
    %get3A_44 = arith.constant 0 : index
    %get3A_45 = vector.load %arg0[%get3A_42, %get3A_43, %get3A_44] : memref<9x512x96xf32, #tpu.memory_space<vmem>>, vector<1x512x96xf32>
    %get3A_46 = vector.shape_cast %get3A_45 : vector<1x512x96xf32> to vector<512x96xf32>
    %max3A_47 = arith.maximumf %max3A_41, %get3A_46 : vector<512x96xf32>
    %get3A_48 = arith.constant 8 : index
    %get3A_49 = arith.constant 0 : index
    %get3A_50 = arith.constant 0 : index
    %get3A_51 = vector.load %arg0[%get3A_48, %get3A_49, %get3A_50] : memref<9x512x96xf32, #tpu.memory_space<vmem>>, vector<1x512x96xf32>
    %get3A_52 = vector.shape_cast %get3A_51 : vector<1x512x96xf32> to vector<512x96xf32>
    %max3A_53 = arith.maximumf %max3A_47, %get3A_52 : vector<512x96xf32>
    %sub3A = arith.subf %max3A_53, %get3A_1 : vector<512x96xf32>
    %concatenate3A = tpu.concatenate %get3A_1, %sub3A in 1 : vector<512x96xf32>, vector<512x96xf32> -> vector<512x192xf32>
    %get3A_54 = arith.constant 0 : index
    %get3A_55 = arith.constant 0 : index
    %get3A_56 = vector.load %arg2[%get3A_54, %get3A_55] : memref<192x192xf32, #tpu.memory_space<vmem>>, vector<192x192xf32>
    %convert_element_type3A = arith.truncf %concatenate3A : vector<512x192xf32> to vector<512x192xbf16>
    %convert_element_type3A_57 = arith.truncf %get3A_56 : vector<192x192xf32> to vector<192x192xbf16>
    %dot_general3A = arith.constant dense<0.000000e+00> : vector<512x192xf32>
    %dot_general3A_58 = tpu.matmul %convert_element_type3A, %convert_element_type3A_57, %dot_general3A {dimension_numbers = #tpu.dot_dimension_numbers<[1], [0], [0], [1], [0, 0, 1, 1], [], []>, transpose_lhs_hint = false} : vector<512x192xbf16>, vector<192x192xbf16>, vector<512x192xf32> -> vector<512x192xf32>
    %get3A_59 = arith.constant 0 : index
    %get3A_60 = arith.constant 0 : index
    %get3A_61 = vector.load %arg3[%get3A_59, %get3A_60] : memref<1x192xf32, #tpu.memory_space<vmem>>, vector<1x192xf32>
    %add3A = vector.broadcast %get3A_61 : vector<1x192xf32> to vector<512x192xf32>
    %add3A_62 = arith.addf %dot_general3A_58, %add3A : vector<512x192xf32>
    %swap3A = arith.constant 0 : index
    %swap3A_63 = arith.constant 0 : index
    %swap3A_64 = vector.load %arg4[%swap3A, %swap3A_63] : memref<512x192xf32, #tpu.memory_space<vmem>>, vector<512x192xf32>
    tpu.vector_store %arg4[%swap3A, %swap3A_63], %add3A_62 {strides = array<i32>} : memref<512x192xf32, #tpu.memory_space<vmem>>, vector<512x192xf32>,
    return
  }
}

module attributes {stable_mosaic.version = 14 : i64} {
  func.func @_bnmm_body(%arg0: memref<512x192xf32, #tpu.memory_space<vmem>>, %arg1: memref<1x192xf32, #tpu.memory_space<vmem>>, %arg2: memref<1x192xf32, #tpu.memory_space<vmem>>, %arg3: memref<1x192xf32, #tpu.memory_space<vmem>>, %arg4: memref<1x192xf32, #tpu.memory_space<vmem>>, %arg5: memref<192x96xf32, #tpu.memory_space<vmem>>, %arg6: memref<1x96xf32, #tpu.memory_space<vmem>>, %arg7: memref<512x192xf32, #tpu.memory_space<vmem>>, %arg8: memref<512x96xf32, #tpu.memory_space<vmem>>) attributes {dimension_semantics = [], scalar_prefetch = 0 : i64, scratch_operands = 0 : i64, tpu.core_type = #tpu.core_type<tc>} {
    %get3A = arith.constant 0 : index
    %get3A_0 = arith.constant 0 : index
    %get3A_1 = vector.load %arg0[%get3A, %get3A_0] : memref<512x192xf32, #tpu.memory_space<vmem>>, vector<512x192xf32>
    %get3A_2 = arith.constant 0 : index
    %get3A_3 = arith.constant 0 : index
    %get3A_4 = vector.load %arg1[%get3A_2, %get3A_3] : memref<1x192xf32, #tpu.memory_space<vmem>>, vector<1x192xf32>
    %sub3A = vector.broadcast %get3A_4 : vector<1x192xf32> to vector<512x192xf32>
    %sub3A_5 = arith.subf %get3A_1, %sub3A : vector<512x192xf32>
    %get3A_6 = arith.constant 0 : index
    %get3A_7 = arith.constant 0 : index
    %get3A_8 = vector.load %arg2[%get3A_6, %get3A_7] : memref<1x192xf32, #tpu.memory_space<vmem>>, vector<1x192xf32>
    %div3A = vector.broadcast %get3A_8 : vector<1x192xf32> to vector<512x192xf32>
    %div3A_9 = arith.divf %sub3A_5, %div3A : vector<512x192xf32>
    %get3A_10 = arith.constant 0 : index
    %get3A_11 = arith.constant 0 : index
    %get3A_12 = vector.load %arg3[%get3A_10, %get3A_11] : memref<1x192xf32, #tpu.memory_space<vmem>>, vector<1x192xf32>
    %mul3A = vector.broadcast %get3A_12 : vector<1x192xf32> to vector<512x192xf32>
    %mul3A_13 = arith.mulf %div3A_9, %mul3A : vector<512x192xf32>
    %get3A_14 = arith.constant 0 : index
    %get3A_15 = arith.constant 0 : index
    %get3A_16 = vector.load %arg4[%get3A_14, %get3A_15] : memref<1x192xf32, #tpu.memory_space<vmem>>, vector<1x192xf32>
    %add3A = vector.broadcast %get3A_16 : vector<1x192xf32> to vector<512x192xf32>
    %add3A_17 = arith.addf %mul3A_13, %add3A : vector<512x192xf32>
    %max3A = arith.constant 0.000000e+00 : f32
    %max3A_18 = vector.broadcast %max3A : f32 to vector<512x192xf32>
    %max3A_19 = arith.maximumf %add3A_17, %max3A_18 : vector<512x192xf32>
    %swap3A = arith.constant 0 : index
    %swap3A_20 = arith.constant 0 : index
    %swap3A_21 = vector.load %arg7[%swap3A, %swap3A_20] : memref<512x192xf32, #tpu.memory_space<vmem>>, vector<512x192xf32>
    tpu.vector_store %arg7[%swap3A, %swap3A_20], %max3A_19 {strides = array<i32>} : memref<512x192xf32, #tpu.memory_space<vmem>>, vector<512x192xf32>,
    %get3A_22 = arith.constant 0 : index
    %get3A_23 = arith.constant 0 : index
    %get3A_24 = vector.load %arg5[%get3A_22, %get3A_23] : memref<192x96xf32, #tpu.memory_space<vmem>>, vector<192x96xf32>
    %convert_element_type3A = arith.truncf %max3A_19 : vector<512x192xf32> to vector<512x192xbf16>
    %convert_element_type3A_25 = arith.truncf %get3A_24 : vector<192x96xf32> to vector<192x96xbf16>
    %dot_general3A = arith.constant dense<0.000000e+00> : vector<512x96xf32>
    %dot_general3A_26 = tpu.matmul %convert_element_type3A, %convert_element_type3A_25, %dot_general3A {dimension_numbers = #tpu.dot_dimension_numbers<[1], [0], [0], [1], [0, 0, 1, 1], [], []>, transpose_lhs_hint = false} : vector<512x192xbf16>, vector<192x96xbf16>, vector<512x96xf32> -> vector<512x96xf32>
    %get3A_27 = arith.constant 0 : index
    %get3A_28 = arith.constant 0 : index
    %get3A_29 = vector.load %arg6[%get3A_27, %get3A_28] : memref<1x96xf32, #tpu.memory_space<vmem>>, vector<1x96xf32>
    %add3A_30 = vector.broadcast %get3A_29 : vector<1x96xf32> to vector<512x96xf32>
    %add3A_31 = arith.addf %dot_general3A_26, %add3A_30 : vector<512x96xf32>
    %swap3A_32 = arith.constant 0 : index
    %swap3A_33 = arith.constant 0 : index
    %swap3A_34 = vector.load %arg8[%swap3A_32, %swap3A_33] : memref<512x96xf32, #tpu.memory_space<vmem>>, vector<512x96xf32>
    tpu.vector_store %arg8[%swap3A_32, %swap3A_33], %add3A_31 {strides = array<i32>} : memref<512x96xf32, #tpu.memory_space<vmem>>, vector<512x96xf32>,
    return
  }
}

module attributes {stable_mosaic.version = 14 : i64} {
  func.func @_out_body(%arg0: memref<512x96xf32, #tpu.memory_space<vmem>>, %arg1: memref<1x96xf32, #tpu.memory_space<vmem>>, %arg2: memref<1x96xf32, #tpu.memory_space<vmem>>, %arg3: memref<1x96xf32, #tpu.memory_space<vmem>>, %arg4: memref<1x96xf32, #tpu.memory_space<vmem>>, %arg5: memref<512x96xf32, #tpu.memory_space<vmem>>, %arg6: memref<512x96xf32, #tpu.memory_space<vmem>>) attributes {dimension_semantics = [], scalar_prefetch = 0 : i64, scratch_operands = 0 : i64, tpu.core_type = #tpu.core_type<tc>} {
    %get3A = arith.constant 0 : index
    %get3A_0 = arith.constant 0 : index
    %get3A_1 = vector.load %arg0[%get3A, %get3A_0] : memref<512x96xf32, #tpu.memory_space<vmem>>, vector<512x96xf32>
    %get3A_2 = arith.constant 0 : index
    %get3A_3 = arith.constant 0 : index
    %get3A_4 = vector.load %arg1[%get3A_2, %get3A_3] : memref<1x96xf32, #tpu.memory_space<vmem>>, vector<1x96xf32>
    %sub3A = vector.broadcast %get3A_4 : vector<1x96xf32> to vector<512x96xf32>
    %sub3A_5 = arith.subf %get3A_1, %sub3A : vector<512x96xf32>
    %get3A_6 = arith.constant 0 : index
    %get3A_7 = arith.constant 0 : index
    %get3A_8 = vector.load %arg2[%get3A_6, %get3A_7] : memref<1x96xf32, #tpu.memory_space<vmem>>, vector<1x96xf32>
    %div3A = vector.broadcast %get3A_8 : vector<1x96xf32> to vector<512x96xf32>
    %div3A_9 = arith.divf %sub3A_5, %div3A : vector<512x96xf32>
    %get3A_10 = arith.constant 0 : index
    %get3A_11 = arith.constant 0 : index
    %get3A_12 = vector.load %arg3[%get3A_10, %get3A_11] : memref<1x96xf32, #tpu.memory_space<vmem>>, vector<1x96xf32>
    %mul3A = vector.broadcast %get3A_12 : vector<1x96xf32> to vector<512x96xf32>
    %mul3A_13 = arith.mulf %div3A_9, %mul3A : vector<512x96xf32>
    %get3A_14 = arith.constant 0 : index
    %get3A_15 = arith.constant 0 : index
    %get3A_16 = vector.load %arg4[%get3A_14, %get3A_15] : memref<1x96xf32, #tpu.memory_space<vmem>>, vector<1x96xf32>
    %add3A = vector.broadcast %get3A_16 : vector<1x96xf32> to vector<512x96xf32>
    %add3A_17 = arith.addf %mul3A_13, %add3A : vector<512x96xf32>
    %get3A_18 = arith.constant 0 : index
    %get3A_19 = arith.constant 0 : index
    %get3A_20 = vector.load %arg5[%get3A_18, %get3A_19] : memref<512x96xf32, #tpu.memory_space<vmem>>, vector<512x96xf32>
    %add3A_21 = arith.addf %add3A_17, %get3A_20 : vector<512x96xf32>
    %max3A = arith.constant 0.000000e+00 : f32
    %max3A_22 = vector.broadcast %max3A : f32 to vector<512x96xf32>
    %max3A_23 = arith.maximumf %add3A_21, %max3A_22 : vector<512x96xf32>
    %swap3A = arith.constant 0 : index
    %swap3A_24 = arith.constant 0 : index
    %swap3A_25 = vector.load %arg6[%swap3A, %swap3A_24] : memref<512x96xf32, #tpu.memory_space<vmem>>, vector<512x96xf32>
    tpu.vector_store %arg6[%swap3A, %swap3A_24], %max3A_23 {strides = array<i32>} : memref<512x96xf32, #tpu.memory_space<vmem>>, vector<512x96xf32>,
    return
  }
}

</mosaic_0001>

<sc_bundles>
// kernel: kernel.18.cloned.1.call-start
scs
__scs_entry_jumppad:
0x0: {  	(pc) =	sbr.rel $0x88, $3  }
0x1: {  	(tag) =	ssettag $0x0;
	lr =	simm.s32 $0x1  }
0x2: {  	[smem:$0x3F80] =	sst lr;
	_ =	strace $0xD0000000  }
0x3: {  	_ = 	snop  }
0x4: {  	_ = 	snop  }
0x5: {  	_ = 	snop  }
0x6: {  	_ = 	snop  }
0x7: {  	_ = 	snop  }
__scs_overlays_trampoline_lowered:
0x8: {  	[smem:$0x3F8F] =	sst s0  }
0x9: {  	[smem:$0x3F90] =	sst s1  }
0xa: {  	[smem:$0x3F91] =	sst s2  }
0xb: {  	[smem:$0x3F92] =	sst s3  }
0xc: {  	[smem:$0x3F93] =	sst s4  }
0xd: {  	[smem:$0x3F94] =	sst s5  }
0xe: {  	[smem:$0x3F95] =	sst s6  }
0xf: {  	[smem:$0x3F96] =	sst s7  }
0x10: {  	[smem:$0x3F97] =	sst s8  }
0x11: {  	[smem:$0x3F98] =	sst s9;
	s0 =	simm.s32 @!p0 $0x0  }
0x12: {  	s1 =	sld [smem:$0x3F7E];
	s0 =	simm.s32 @p0 $0x1  }
0x13: {  	[smem:$0x3F99] =	sst s0;
	s0 =	simm.s32 @!p1 $0x0  }
0x14: {  	s2 =	sld [smem:$0x3F7D];
	s0 =	simm.s32 @p1 $0x1  }
0x15: {  	[smem:$0x3F9A] =	sst s0;
	s0 =	simm.s32 @!p2 $0x0  }
0x16: {  	s3 =	sld [smem:$0x3FDB];
	s0 =	simm.s32 @p2 $0x1  }
0x17: {  	s4 =	simm.s32 $0x1BF5;
	[smem:$0x3F9C] =	sst s0  }
0x18: {  	s0 =	sld [smem:$0x3F7F];
	_ =	swait.ge [sflag:s4], $0x0  }
0x19: {  	s7 =	sld [smem:$0x3F80]  }
0x1a: {  	s8 =	sadd.s32 $0xFFFFE003, lr  }
0x1b: {  	s9 =	sadd.s32 $0xFFFFFEF7, lr;
	s5 =	simm.s32 $0xFFFFFFFF;
	p2 =	slt.u32 s8, $0xFFFFF086  }
0x1c: {  	p1 =	slt.u32 s9, $0xF7A;
	s5 =	simm.s32 @!p2 $0x0  }
0x1d: {  	s5 =	simm.s32 @p1 $0x1;
	p0 =	seq.s32 s7, s2  }
0x1e: {  	s7 =	smul.u32 @!p0 $0xF7A, s2;
	p2 =	seq.s32 @!p0 s5, $0x0  }
0x1f: {  	s9 =	smul.u32 $0xF7A, s1;
	s8 =	simm.s32 @!p0 $0x1BF5;
	p2 =	por !p2, p0  }
0x20: {  	[sflag:s8] =	ssyncset.s32 @!p0 $0xFFFFF086;
	s6 =	sadd.s32 @!p0 s3, s7;
	s7 =	simm.s32 @!p0 $0x108  }
0x21: {  	s3 =	sadd.s32 s3, s9;
	s6 =	sadd.s32 @!p0 $0x88, s6;
	s7 =	simm.s32 @p2 $0x1082  }
0x22: {  	[simem:s7], [sflag:s8] =	dma.local @!p0 [hbm:s6], $0xF7A  }
0x23: {  	s9 =	sor.u32 $0xD0000000, s2;
	s6 =	simm.s32 $0x108;
	_ =	swait.ge @!p0 [sflag:s8], $0x0  }
0x24: {  	s3 =	sadd.s32 $0x88, s3;
	s6 =	simm.s32 @!p1 $0x1082;
	[sflag:s4] =	ssyncset.s32 $0xFFFFF086  }
0x25: {  	[simem:s6], [sflag:s4] =	dma.local [hbm:s3], $0xF7A  }
0x26: {  	[smem:$0x3F80] =	sst s1;
	(tag) =	ssettag s2;
	_ =	strace s9  }
0x27: {  	s1 =	sld [smem:$0x3F90]  }
0x28: {  	s2 =	sld [smem:$0x3F91]  }
0x29: {  	s4 =	sld [smem:$0x3F93]  }
0x2a: {  	p0 =	seq.s32 s5, $0x0;
	s5 =	sld [smem:$0x3F94]  }
0x2b: {  	s6 =	sld [smem:$0x3F95]  }
0x2c: {  	s7 =	sld [smem:$0x3F96]  }
0x2d: {  	s3 =	simm.s32 $0x108;
	s8 =	sld [smem:$0x3F97]  }
0x2e: {  	s3 =	simm.s32 @!p0 $0x1082;
	s9 =	sld [smem:$0x3F98]  }
0x2f: {  	lr =	sadd.s32 s0, s3;
	s0 =	sld [smem:$0x3F8F]  }
0x30: {  	s3 =	sld [smem:$0x3F92]  }
0x31: {  	[smem:$0x3F9B] =	sst s10  }
0x32: {  	s10 =	sld [smem:$0x3F99];
	_ =	sdelay $0x3  }
0x33: {  	p0 =	seq.s32 s10, $0x1;
	s10 =	sld [smem:$0x3F9B];
	_ =	sdelay $0x3  }
0x34: {  	[smem:$0x3F9B] =	sst s10  }
0x35: {  	s10 =	sld [smem:$0x3F9A];
	_ =	sdelay $0x3  }
0x36: {  	p1 =	seq.s32 s10, $0x1;
	s10 =	sld [smem:$0x3F9B];
	_ =	sdelay $0x3  }
0x37: {  	[smem:$0x3F9B] =	sst s10  }
0x38: {  	s10 =	sld [smem:$0x3F9C]  }
0x39: {  	_ = 	snop;
	(pc) =	sbr.ind lr, $3  }
0x3a: {  	_ = 	snop  }
0x3b: {  	_ = 	snop  }
0x3c: {  	p2 =	seq.s32 s10, $0x1;
	s10 =	sld [smem:$0x3F9B]  }
0x3d: {  	_ =	shalt  }
0x3e: {  	_ =	shalt  }
0x3f: {  	_ =	shalt  }
0x40: {  	_ =	shalt  }
0x41: {  	_ =	shalt  }
0x42: {  	_ =	shalt  }
0x43: {  	_ =	shalt  }
0x44: {  	_ =	shalt  }
0x45: {  	_ =	shalt  }
0x46: {  	_ =	shalt  }
0x47: {  	_ =	shalt  }
0x48: {  	_ =	shalt  }
0x49: {  	_ =	shalt  }
0x4a: {  	_ =	shalt  }
0x4b: {  	_ =	shalt  }
0x4c: {  	_ =	shalt  }
0x4d: {  	_ =	shalt  }
0x4e: {  	_ =	shalt  }
0x4f: {  	_ =	shalt  }
0x50: {  	_ =	shalt  }
0x51: {  	_ =	shalt  }
0x52: {  	_ =	shalt  }
0x53: {  	_ =	shalt  }
0x54: {  	_ =	shalt  }
0x55: {  	_ =	shalt  }
0x56: {  	_ =	shalt  }
0x57: {  	_ =	shalt  }
0x58: {  	_ =	shalt  }
0x59: {  	_ =	shalt  }
0x5a: {  	_ =	shalt  }
0x5b: {  	_ =	shalt  }
0x5c: {  	_ =	shalt  }
0x5d: {  	_ =	shalt  }
0x5e: {  	_ =	shalt  }
0x5f: {  	_ =	shalt  }
0x60: {  	_ =	shalt  }
0x61: {  	_ =	shalt  }
0x62: {  	_ =	shalt  }
0x63: {  	_ =	shalt  }
0x64: {  	_ =	shalt  }
0x65: {  	_ =	shalt  }
0x66: {  	_ =	shalt  }
0x67: {  	_ =	shalt  }
0x68: {  	_ =	shalt  }
0x69: {  	_ =	shalt  }
0x6a: {  	_ =	shalt  }
0x6b: {  	_ =	shalt  }
0x6c: {  	_ =	shalt  }
0x6d: {  	_ =	shalt  }
0x6e: {  	_ =	shalt  }
0x6f: {  	_ =	shalt  }
0x70: {  	_ =	shalt  }
0x71: {  	_ =	shalt  }
0x72: {  	_ =	shalt  }
0x73: {  	_ =	shalt  }
0x74: {  	_ =	shalt  }
0x75: {  	_ =	shalt  }
0x76: {  	_ =	shalt  }
0x77: {  	_ =	shalt  }
0x78: {  	_ =	shalt  }
0x79: {  	_ =	shalt  }
0x7a: {  	_ =	shalt  }
0x7b: {  	_ =	shalt  }
0x7c: {  	_ =	shalt  }
0x7d: {  	_ =	shalt  }
0x7e: {  	_ =	shalt  }
0x7f: {  	_ =	shalt  }
0x80: {  	_ =	shalt  }
0x81: {  	_ =	shalt  }
0x82: {  	_ =	shalt  }
0x83: {  	_ =	shalt  }
0x84: {  	_ =	shalt  }
0x85: {  	_ =	shalt  }
0x86: {  	_ =	shalt  }
0x87: {  	_ =	shalt  }
.Lfunc_end0:
.L_simem_size_0:
called_computation_lowered:
.L_overlay_start_0:
0x88: {  	s2 =	sld [smem:$0x3FD9]  }
0x89: {  	s3 =	sld [smem:$0x3FFE];
	_ =	sdelay $0x1  }
0x8a: {  	s1 =	srdreg.scid  }
0x8b: {  	s0 =	sand.u32 $0x1, s1  }
0x8c: {  	s14 =	sshll.u32 s0, $0xA;
	s2 =	sadd.s32 s3, s2  }
0x8d: {  	s2 =	sadd.s32 s2, s14  }
0x8e: {  	[smem:$0x3FA7] =	sst s2  }
0x8f: {  	_ = 	snop  }
0x90: {  	s2 =	sld [smem:$0x3FD0];
	_ =	sdelay $0x2  }
0x91: {  	s15 =	simm.s32 $0xA;
	s4 =	simm.s32 $0x10  }
0x92: {  	[smem:s4], [sflag:s15] =	dma.local [hbm:s2], $0x1  }
0x93: {  	_ =	swait.eq [sflag:s15], $0x1  }
0x94: {  	[sflag:s15] =	ssyncset.done $0x0  }
0x95: {  	s16 =	sld [smem:$0x10];
	[sflag:s15] =	ssyncadd.s32 $0xFFFFFFFF  }
0x96: {  	s17 =	sld [smem:$0x11];
	(tm) =	ssettm $0x1  }
0x97: {  	s18 =	sld [smem:$0x3FFB];
	_ =	sdelay $0x3  }
0x98: {  	_ =	strace s18  }
0x99: {  	s4 =	sld [smem:$0x3FFC];
	_ =	sdelay $0x3  }
0x9a: {  	_ =	strace s4  }
0x9b: {  	s4 =	sld [smem:$0x3FFD];
	_ =	sdelay $0x3  }
0x9c: {  	_ =	strace s4  }
0x9d: {  	_ =	strace $0x8FFFFFFF  }
0x9e: {  	s19 =	sld [smem:$0x3FDB];
	_ =	sdelay $0x1  }
0x9f: {  	s5 =	simm.s32 $_scs_section_size  }
0xa0: {  	s6 =	simm.s32 $_size__tile_overlayer_lowered;
	s7 =	simm.s32 $_tile_overlayer_lowered  }
0xa1: {  	s22 =	simm.s32 $0x1BFF;
	s21 =	sshll.u32 s7, $0x1;
	s4 =	sadd.s32 s5, s19  }
0xa2: {  	s8 =	simm.s32 $0x0;
	s20 =	sshll.u32 s6, $0x1;
	s6 =	sadd.s32 s21, s4  }
0xa3: {  	[timem:s8], [sflag:s22] =	dma.local [hbm:s6], s20  }
0xa4: {  	_ =	swait.ge [sflag:s22], s20  }
0xa5: {  	s5 =	ssub.s32 $0x0, s20;
	[sflag:s22] =	ssyncset.done $0x0  }
0xa6: {  	[sflag:s22] =	ssyncadd.s32 s5;
	_ =	sdelay $0x1  }
0xa7: {  	s23 =	simm.s32 $0x1B8B  }
0xa8: {  	_ =	swait.ge [sflag:s23], $0x1  }
0xa9: {  	[sflag:s23] =	ssyncset.done $0x0  }
0xaa: {  	s25 =	simm.s32 $0x1B8E;
	s24 =	sld [smem:$0x3FFE];
	[sflag:s23] =	ssyncadd.s32 $0xFFFFFFFF  }
0xab: {  	s26 =	simm.s32 $execute0_lowered;
	[smem:$0x3FD2] =	sst s25  }
0xac: {  	s6 =	sshll.u32 s26, $0x1;
	_ =	strace $0x80000046;
	[dreg:$0x1] =	wrdreg $0xFFFFFFFF  }
0xad: {  	s28 =	simm.s32 $_size_execute0_lowered;
	s4 =	sadd.s32 s4, s6;
	[dreg:$0x0] =	wrdreg $0x0  }
0xae: {  	s6 =	sshll.u32 s28, $0x1;
	[dreg:$0x2] =	wrdreg s4  }
0xaf: {  	[dreg:$0x3] =	wrdreg s6  }
0xb0: {  	[dreg:$0x4] =	wrdreg $0xC0  }
0xb1: {  	_ =	task [dreg:s8], $0x5FFFF  }
0xb2: {  	[dreg:$0x1] =	wrdreg $0xFFFFFFFF  }
0xb3: {  	[dreg:$0x0] =	wrdreg $0x60  }
0xb4: {  	[dreg:$0x2] =	wrdreg s16  }
0xb5: {  	[dreg:$0x3] =	wrdreg s17  }
0xb6: {  	[dreg:$0x4] =	wrdreg s24  }
0xb7: {  	[dreg:$0x5] =	wrdreg $0x9  }
0xb8: {  	_ =	task.clear_ibuf [dreg:s8], $0x6FFFF;
	_ =	strace $0x90000046  }
0xb9: {  	s29 =	simm.s32 $0x9;
	_ =	strace $0x80000048  }
0xba: {  	_ =	swait.ge [sflag:s29], $0x1  }
0xbb: {  	[sflag:s29] =	ssyncadd.s32 $0xFFFFFFFF  }
0xbc: {  	_ =	strace $0x90000048  }
0xbd: {  	_ =	sfence  }
0xbe: {  	s30 =	sld [smem:$0x0];
	_ =	sdelay $0x2  }
0xbf: {  	s31 =	sshll.u32 s1, $0xD;
	s1 =	sshrl.u32 s1, $0x2  }
0xc0: {  	s3 =	sand.u32 $0x4000, s31;
	s1 =	sadd.s32 s1, s30  }
0xc1: {  	s0 =	sor.u32 s3, s0;
	s1 =	sshll.u32 s1, $0x11  }
0xc2: {  	s0 =	sor.u32 s1, s0  }
0xc3: {  	s0 =	sadd.s32 $0x8F2B, s0  }
0xc4: {  	[sflag:s0] =	ssyncadd.remote.s32 $0x1  }
0xc5: {  	_ =	sfence.sel $0xFFFF  }
0xc6: {  	[dreg:$0x0] =	wrdreg $0xFFFFFFFF;
	(pc) =	sbr.abs _section_cstart, $3  }
0xc7: {  	[dreg:$0x1] =	wrdreg $0xFFFFFFFF  }
0xc8: {  	_ =	task.clear_ibuf [dreg:s8], $0x2FFFF;
	_ =	strace $0x9FFFFFFF  }
0xc9: {  	(tm) =	ssettm $0x7FFFFFFF  }
tec
execute0_lowered:
.L_overlay_start_1:
0x0: {  	(tag) =	ssettag $0x1  }
0x1: {  	s1 =	rddreg [dreg:$0x0]  }
0x2: {  	s2 =	srdreg.scid;
	s0 =	stileid.u32  }
0x3: {  	s4 =	rddreg [dreg:$0x1];
	s25 =	sand.u32 $0x1, s2;
	s31 =	sshll.u32 s0, $0x1  }
0x4: {  	s24 =	rddreg [dreg:$0x2];
	s26 =	sor.u32 s25, s31  }
0x5: {  	s3 =	simm.s32 $0x0;
	s2 =	rddreg [dreg:$0x3];
	s5 =	smul.u32 $0x90, s26  }
0x6: {  	[smem:$0x7FF] =	sst s3  }
0x7: {  	_ =	strace $0x80000047;
	s5 =	sadd.s32 s4, s5;
	s4 =	simm.s32 $0x2  }
0x8: {  	[tilespmem:s3], [sflag:$0x2] =	stream.linear.gather [hbm4b:s5+s3], $0x480, $0x38;
	[tilespmem:$0xDC80] =	vst v63  }
0x9: {  	_ =	swait.ge [sflag:s4], $0x480  }
0xa: {  	[sflag:s4] =	ssyncset.done $0x0  }
0xb: {  	s6 =	simm.s32 $0x80;
	s7 =	simm.s32 $0x480;
	[sflag:s4] =	ssyncadd.s32 $0xFFFFFB80  }
0xc: {  	[tilespmem:s7], [sflag:$0x1] =	stream.indirect.gather [hbm4b:s1+s6], $0x30, s3, s6, $0xb8;
	[tilespmem:$0xDC80] =	vst v63  }
0xd: {  	s8 =	simm.s32 $0x1C80  }
0xe: {  	[tilespmem:s8], [sflag:$0x1] =	stream.indirect.gather [hbm4b:s1+s6], $0x30, s6, s6, $0xb8;
	[tilespmem:$0xDC80] =	vst v63  }
0xf: {  	s9 =	simm.s32 $0x100;
	s10 =	simm.s32 $0x3480  }
0x10: {  	[tilespmem:s10], [sflag:$0x1] =	stream.indirect.gather [hbm4b:s1+s6], $0x30, s9, s6, $0xb8;
	[tilespmem:$0xDC80] =	vst v63  }
0x11: {  	s11 =	simm.s32 $0x180;
	s12 =	simm.s32 $0x4C80  }
0x12: {  	[tilespmem:s12], [sflag:$0x1] =	stream.indirect.gather [hbm4b:s1+s6], $0x30, s11, s6, $0xb8;
	[tilespmem:$0xDC80] =	vst v63  }
0x13: {  	s13 =	simm.s32 $0x200;
	s14 =	simm.s32 $0x6480  }
0x14: {  	[tilespmem:s14], [sflag:$0x1] =	stream.indirect.gather [hbm4b:s1+s6], $0x30, s13, s6, $0xb8;
	[tilespmem:$0xDC80] =	vst v63  }
0x15: {  	s15 =	simm.s32 $0x280;
	s16 =	simm.s32 $0x7C80  }
0x16: {  	[tilespmem:s16], [sflag:$0x1] =	stream.indirect.gather [hbm4b:s1+s6], $0x30, s15, s6, $0xb8;
	[tilespmem:$0xDC80] =	vst v63  }
0x17: {  	s17 =	simm.s32 $0x300;
	s18 =	simm.s32 $0x9480  }
0x18: {  	[tilespmem:s18], [sflag:$0x1] =	stream.indirect.gather [hbm4b:s1+s6], $0x30, s17, s6, $0xb8;
	[tilespmem:$0xDC80] =	vst v63  }
0x19: {  	s19 =	simm.s32 $0x380;
	s20 =	simm.s32 $0xAC80  }
0x1a: {  	[tilespmem:s20], [sflag:$0x1] =	stream.indirect.gather [hbm4b:s1+s6], $0x30, s19, s6, $0xb8;
	[tilespmem:$0xDC80] =	vst v63  }
0x1b: {  	s21 =	simm.s32 $0x400;
	s22 =	simm.s32 $0xC480;
	s23 =	simm.s32 $0x1  }
0x1c: {  	[tilespmem:s22], [sflag:$0x1] =	stream.indirect.gather [hbm4b:s1+s6], $0x30, s21, s6, $0xb8;
	[tilespmem:$0xDC80] =	vst v63  }
0x1d: {  	_ =	swait.ge [sflag:s23], $0x1800  }
0x1e: {  	[sflag:s23] =	ssyncset.done $0x0  }
0x1f: {  	[sflag:s23] =	ssyncadd.s32 $0xFFFFE800  }
0x20: {  	_ =	swait.ge [sflag:s23], $0x1800  }
0x21: {  	[sflag:s23] =	ssyncset.done $0x0  }
0x22: {  	[sflag:s23] =	ssyncadd.s32 $0xFFFFE800  }
0x23: {  	_ =	swait.ge [sflag:s23], $0x1800  }
0x24: {  	[sflag:s23] =	ssyncset.done $0x0  }
0x25: {  	[sflag:s23] =	ssyncadd.s32 $0xFFFFE800  }
0x26: {  	_ =	swait.ge [sflag:s23], $0x1800  }
0x27: {  	[sflag:s23] =	ssyncset.done $0x0  }
0x28: {  	[sflag:s23] =	ssyncadd.s32 $0xFFFFE800  }
0x29: {  	_ =	swait.ge [sflag:s23], $0x1800  }
0x2a: {  	[sflag:s23] =	ssyncset.done $0x0  }
0x2b: {  	[sflag:s23] =	ssyncadd.s32 $0xFFFFE800  }
0x2c: {  	_ =	swait.ge [sflag:s23], $0x1800  }
0x2d: {  	[sflag:s23] =	ssyncset.done $0x0  }
0x2e: {  	[sflag:s23] =	ssyncadd.s32 $0xFFFFE800  }
0x2f: {  	_ =	swait.ge [sflag:s23], $0x1800  }
0x30: {  	[sflag:s23] =	ssyncset.done $0x0  }
0x31: {  	s25 =	ssub.s32 $0x2, s25;
	[sflag:s23] =	ssyncadd.s32 $0xFFFFE800  }
0x32: {  	s28 =	sshrl.u32 s25, $0x1;
	_ =	swait.ge [sflag:s23], $0x1800  }
0x33: {  	s25 =	ssub.s32 s25, s28;
	[sflag:s23] =	ssyncset.done $0x0  }
0x34: {  	s25 =	smax.u32 s25, $0x1;
	[sflag:s23] =	ssyncadd.s32 $0xFFFFE800  }
0x35: {  	s26 =	smul.u32 $0x1B00, s26;
	p0 =	sne.s32 s25, $0x1;
	_ =	swait.ge [sflag:s23], $0x1800  }
.Ltmp0:
0x36: {  	[sflag:s23] =	ssyncset.done $0x0;
	(pc) =	sbr.rel @!p0 .LBB2_2-.Ltmp0, $4  }
0x37: {  	s24 =	sadd.s32 s24, s26;
	[sflag:s23] =	ssyncadd.s32 $0xFFFFE800  }
0x38: {  	[hbm4b:s24+s3] =	stream.linear.scatter [tilespmem:s7], [sflag:$0x2], $0xD800, $0x38;
	[tilespmem:$0xDC80] =	vst v63  }
0x39: {  	_ =	swait.ge [sflag:s4], $0xD800  }
0x3a: {  	s25 =	sadd.s32 $0xFFFFFFFF, s25;
	[sflag:s4] =	ssyncset.done $0x0  }
.LBB2_1:
0x3b: {  	p0 =	sne.s32 s25, $0x1;
	s25 =	sadd.s32 $0xFFFFFFFF, s25;
	[sflag:s4] =	ssyncadd.s32 $0xFFFF2800  }
0x3c: {  	[tilespmem:s3], [sflag:$0x2] =	stream.linear.gather [hbm4b:s5+s3], $0x480, $0x38;
	[tilespmem:$0xDC80] =	vst v63  }
0x3d: {  	_ =	swait.ge [sflag:s4], $0x480  }
0x3e: {  	[sflag:s4] =	ssyncset.done $0x0  }
0x3f: {  	[sflag:s4] =	ssyncadd.s32 $0xFFFFFB80  }
0x40: {  	[tilespmem:s7], [sflag:$0x1] =	stream.indirect.gather [hbm4b:s1+s6], $0x30, s3, s6, $0xb8;
	[tilespmem:$0xDC80] =	vst v63  }
0x41: {  	_ = 	snop  }
0x42: {  	[tilespmem:s8], [sflag:$0x1] =	stream.indirect.gather [hbm4b:s1+s6], $0x30, s6, s6, $0xb8;
	[tilespmem:$0xDC80] =	vst v63  }
0x43: {  	_ = 	snop  }
0x44: {  	[tilespmem:s10], [sflag:$0x1] =	stream.indirect.gather [hbm4b:s1+s6], $0x30, s9, s6, $0xb8;
	[tilespmem:$0xDC80] =	vst v63  }
0x45: {  	_ = 	snop  }
0x46: {  	[tilespmem:s12], [sflag:$0x1] =	stream.indirect.gather [hbm4b:s1+s6], $0x30, s11, s6, $0xb8;
	[tilespmem:$0xDC80] =	vst v63  }
0x47: {  	_ = 	snop  }
0x48: {  	[tilespmem:s14], [sflag:$0x1] =	stream.indirect.gather [hbm4b:s1+s6], $0x30, s13, s6, $0xb8;
	[tilespmem:$0xDC80] =	vst v63  }
0x49: {  	_ = 	snop  }
0x4a: {  	[tilespmem:s16], [sflag:$0x1] =	stream.indirect.gather [hbm4b:s1+s6], $0x30, s15, s6, $0xb8;
	[tilespmem:$0xDC80] =	vst v63  }
0x4b: {  	_ = 	snop  }
0x4c: {  	[tilespmem:s18], [sflag:$0x1] =	stream.indirect.gather [hbm4b:s1+s6], $0x30, s17, s6, $0xb8;
	[tilespmem:$0xDC80] =	vst v63  }
0x4d: {  	_ = 	snop  }
0x4e: {  	[tilespmem:s20], [sflag:$0x1] =	stream.indirect.gather [hbm4b:s1+s6], $0x30, s19, s6, $0xb8;
	[tilespmem:$0xDC80] =	vst v63  }
0x4f: {  	_ = 	snop  }
0x50: {  	[tilespmem:s22], [sflag:$0x1] =	stream.indirect.gather [hbm4b:s1+s6], $0x30, s21, s6, $0xb8;
	[tilespmem:$0xDC80] =	vst v63  }
0x51: {  	_ =	swait.ge [sflag:s23], $0x1800  }
0x52: {  	[sflag:s23] =	ssyncset.done $0x0  }
0x53: {  	[sflag:s23] =	ssyncadd.s32 $0xFFFFE800  }
0x54: {  	_ =	swait.ge [sflag:s23], $0x1800  }
0x55: {  	[sflag:s23] =	ssyncset.done $0x0  }
0x56: {  	[sflag:s23] =	ssyncadd.s32 $0xFFFFE800  }
0x57: {  	_ =	swait.ge [sflag:s23], $0x1800  }
0x58: {  	[sflag:s23] =	ssyncset.done $0x0  }
0x59: {  	[sflag:s23] =	ssyncadd.s32 $0xFFFFE800  }
0x5a: {  	_ =	swait.ge [sflag:s23], $0x1800  }
0x5b: {  	[sflag:s23] =	ssyncset.done $0x0  }
0x5c: {  	[sflag:s23] =	ssyncadd.s32 $0xFFFFE800  }
0x5d: {  	_ =	swait.ge [sflag:s23], $0x1800  }
0x5e: {  	[sflag:s23] =	ssyncset.done $0x0  }
0x5f: {  	[sflag:s23] =	ssyncadd.s32 $0xFFFFE800  }
0x60: {  	_ =	swait.ge [sflag:s23], $0x1800  }
0x61: {  	[sflag:s23] =	ssyncset.done $0x0  }
0x62: {  	[sflag:s23] =	ssyncadd.s32 $0xFFFFE800  }
0x63: {  	_ =	swait.ge [sflag:s23], $0x1800  }
0x64: {  	[sflag:s23] =	ssyncset.done $0x0  }
0x65: {  	[sflag:s23] =	ssyncadd.s32 $0xFFFFE800  }
0x66: {  	_ =	swait.ge [sflag:s23], $0x1800  }
0x67: {  	[sflag:s23] =	ssyncset.done $0x0  }
0x68: {  	[sflag:s23] =	ssyncadd.s32 $0xFFFFE800  }
0x69: {  	_ =	swait.ge [sflag:s23], $0x1800  }
.Ltmp1:
0x6a: {  	[sflag:s23] =	ssyncset.done $0x0;
	(pc) =	sbr.rel @p0 .LBB2_1-.Ltmp1, $4  }
0x6b: {  	[sflag:s23] =	ssyncadd.s32 $0xFFFFE800  }
0x6c: {  	[hbm4b:s24+s3] =	stream.linear.scatter [tilespmem:s7], [sflag:$0x2], $0xD800, $0x38;
	[tilespmem:$0xDC80] =	vst v63  }
0x6d: {  	_ =	swait.ge [sflag:s4], $0xD800  }
0x6e: {  	[sflag:s4] =	ssyncset.done $0x0  }
.LBB2_2:
0x6f: {  	[sflag:s4] =	ssyncadd.s32 $0xFFFF2800  }
0x70: {  	_ =	sfence.sel $0x180000  }
0x71: {  	[bflag:$0x0] =	sbarrier.arrive $0xFFFF  }
0x72: {  	p0 =	sne.s32 s0, $0x0;
	_ =	strace $0x90000047  }
0x73: {  	s0 =	sadd.s32 @!p0 $0x100000, s2;
	[bflag:$0x2] =	sbarrier.arrive $0xFFFF  }
0x74: {  	[sflag:s0] =	ssyncadd.tile.s32 @!p0 $0x1;
	_ =	shalt  }
.Lfunc_end2:
_tile_overlayer_lowered:
.L_overlay_start_2:
0x75: {  	(tag) =	ssettag $0x2  }
0x76: {  	s0 =	rddreg [dreg:$0x0];
	s2 =	stileid.u32  }
0x77: {  	s1 =	rddreg [dreg:$0x1];
	p0 =	sne.s32 s2, $0x0  }
0x78: {  	s3 =	rddreg [dreg:$0x2];
	[bflag:$0x3] =	sbarrier.arrive $0xFFFF;
	s2 =	simm.s32 @!p0 $0x1C02  }
0x79: {  	[timem:s3], [sflag:s2] =	dma.local @!p0 [hbm:s0], s1  }
0x7a: {  	s0 =	simm.s32 @!p0 $0x2  }
0x7b: {  	_ =	swait.ge @!p0 [sflag:s0], s1  }
0x7c: {  	s1 =	ssub.s32 @!p0 $0x0, s1;
	[sflag:s0] =	ssyncset.done @!p0 $0x0  }
0x7d: {  	[sflag:s0] =	ssyncadd.s32 @!p0 s1  }
0x7e: {  	[bflag:$0x3] =	sbarrier.arrive $0xFFFF  }
0x7f: {  	_ =	shalt  }

// kernel: kernel.21.cloned.1.call-start
scs
__scs_entry_jumppad:
0x0: {  	(pc) =	sbr.rel $0x88, $3  }
0x1: {  	(tag) =	ssettag $0x0;
	lr =	simm.s32 $0x1  }
0x2: {  	[smem:$0x3F80] =	sst lr;
	_ =	strace $0xD0000000  }
0x3: {  	_ = 	snop  }
0x4: {  	_ = 	snop  }
0x5: {  	_ = 	snop  }
0x6: {  	_ = 	snop  }
0x7: {  	_ = 	snop  }
__scs_overlays_trampoline_lowered:
0x8: {  	[smem:$0x3F8F] =	sst s0  }
0x9: {  	[smem:$0x3F90] =	sst s1  }
0xa: {  	[smem:$0x3F91] =	sst s2  }
0xb: {  	[smem:$0x3F92] =	sst s3  }
0xc: {  	[smem:$0x3F93] =	sst s4  }
0xd: {  	[smem:$0x3F94] =	sst s5  }
0xe: {  	[smem:$0x3F95] =	sst s6  }
0xf: {  	[smem:$0x3F96] =	sst s7  }
0x10: {  	[smem:$0x3F97] =	sst s8  }
0x11: {  	[smem:$0x3F98] =	sst s9;
	s0 =	simm.s32 @!p0 $0x0  }
0x12: {  	s1 =	sld [smem:$0x3F7E];
	s0 =	simm.s32 @p0 $0x1  }
0x13: {  	[smem:$0x3F99] =	sst s0;
	s0 =	simm.s32 @!p1 $0x0  }
0x14: {  	s2 =	sld [smem:$0x3F7D];
	s0 =	simm.s32 @p1 $0x1  }
0x15: {  	[smem:$0x3F9A] =	sst s0;
	s0 =	simm.s32 @!p2 $0x0  }
0x16: {  	s3 =	sld [smem:$0x3FDB];
	s0 =	simm.s32 @p2 $0x1  }
0x17: {  	s4 =	simm.s32 $0x1BF5;
	[smem:$0x3F9C] =	sst s0  }
0x18: {  	s0 =	sld [smem:$0x3F7F];
	_ =	swait.ge [sflag:s4], $0x0  }
0x19: {  	s7 =	sld [smem:$0x3F80]  }
0x1a: {  	s8 =	sadd.s32 $0xFFFFE003, lr  }
0x1b: {  	s9 =	sadd.s32 $0xFFFFFEF7, lr;
	s5 =	simm.s32 $0xFFFFFFFF;
	p2 =	slt.u32 s8, $0xFFFFF086  }
0x1c: {  	p1 =	slt.u32 s9, $0xF7A;
	s5 =	simm.s32 @!p2 $0x0  }
0x1d: {  	s5 =	simm.s32 @p1 $0x1;
	p0 =	seq.s32 s7, s2  }
0x1e: {  	s7 =	smul.u32 @!p0 $0xF7A, s2;
	p2 =	seq.s32 @!p0 s5, $0x0  }
0x1f: {  	s9 =	smul.u32 $0xF7A, s1;
	s8 =	simm.s32 @!p0 $0x1BF5;
	p2 =	por !p2, p0  }
0x20: {  	[sflag:s8] =	ssyncset.s32 @!p0 $0xFFFFF086;
	s6 =	sadd.s32 @!p0 s3, s7;
	s7 =	simm.s32 @!p0 $0x108  }
0x21: {  	s3 =	sadd.s32 s3, s9;
	s6 =	sadd.s32 @!p0 $0x88, s6;
	s7 =	simm.s32 @p2 $0x1082  }
0x22: {  	[simem:s7], [sflag:s8] =	dma.local @!p0 [hbm:s6], $0xF7A  }
0x23: {  	s9 =	sor.u32 $0xD0000000, s2;
	s6 =	simm.s32 $0x108;
	_ =	swait.ge @!p0 [sflag:s8], $0x0  }
0x24: {  	s3 =	sadd.s32 $0x88, s3;
	s6 =	simm.s32 @!p1 $0x1082;
	[sflag:s4] =	ssyncset.s32 $0xFFFFF086  }
0x25: {  	[simem:s6], [sflag:s4] =	dma.local [hbm:s3], $0xF7A  }
0x26: {  	[smem:$0x3F80] =	sst s1;
	(tag) =	ssettag s2;
	_ =	strace s9  }
0x27: {  	s1 =	sld [smem:$0x3F90]  }
0x28: {  	s2 =	sld [smem:$0x3F91]  }
0x29: {  	s4 =	sld [smem:$0x3F93]  }
0x2a: {  	p0 =	seq.s32 s5, $0x0;
	s5 =	sld [smem:$0x3F94]  }
0x2b: {  	s6 =	sld [smem:$0x3F95]  }
0x2c: {  	s7 =	sld [smem:$0x3F96]  }
0x2d: {  	s3 =	simm.s32 $0x108;
	s8 =	sld [smem:$0x3F97]  }
0x2e: {  	s3 =	simm.s32 @!p0 $0x1082;
	s9 =	sld [smem:$0x3F98]  }
0x2f: {  	lr =	sadd.s32 s0, s3;
	s0 =	sld [smem:$0x3F8F]  }
0x30: {  	s3 =	sld [smem:$0x3F92]  }
0x31: {  	[smem:$0x3F9B] =	sst s10  }
0x32: {  	s10 =	sld [smem:$0x3F99];
	_ =	sdelay $0x3  }
0x33: {  	p0 =	seq.s32 s10, $0x1;
	s10 =	sld [smem:$0x3F9B];
	_ =	sdelay $0x3  }
0x34: {  	[smem:$0x3F9B] =	sst s10  }
0x35: {  	s10 =	sld [smem:$0x3F9A];
	_ =	sdelay $0x3  }
0x36: {  	p1 =	seq.s32 s10, $0x1;
	s10 =	sld [smem:$0x3F9B];
	_ =	sdelay $0x3  }
0x37: {  	[smem:$0x3F9B] =	sst s10  }
0x38: {  	s10 =	sld [smem:$0x3F9C]  }
0x39: {  	_ = 	snop;
	(pc) =	sbr.ind lr, $3  }
0x3a: {  	_ = 	snop  }
0x3b: {  	_ = 	snop  }
0x3c: {  	p2 =	seq.s32 s10, $0x1;
	s10 =	sld [smem:$0x3F9B]  }
0x3d: {  	_ =	shalt  }
0x3e: {  	_ =	shalt  }
0x3f: {  	_ =	shalt  }
0x40: {  	_ =	shalt  }
0x41: {  	_ =	shalt  }
0x42: {  	_ =	shalt  }
0x43: {  	_ =	shalt  }
0x44: {  	_ =	shalt  }
0x45: {  	_ =	shalt  }
0x46: {  	_ =	shalt  }
0x47: {  	_ =	shalt  }
0x48: {  	_ =	shalt  }
0x49: {  	_ =	shalt  }
0x4a: {  	_ =	shalt  }
0x4b: {  	_ =	shalt  }
0x4c: {  	_ =	shalt  }
0x4d: {  	_ =	shalt  }
0x4e: {  	_ =	shalt  }
0x4f: {  	_ =	shalt  }
0x50: {  	_ =	shalt  }
0x51: {  	_ =	shalt  }
0x52: {  	_ =	shalt  }
0x53: {  	_ =	shalt  }
0x54: {  	_ =	shalt  }
0x55: {  	_ =	shalt  }
0x56: {  	_ =	shalt  }
0x57: {  	_ =	shalt  }
0x58: {  	_ =	shalt  }
0x59: {  	_ =	shalt  }
0x5a: {  	_ =	shalt  }
0x5b: {  	_ =	shalt  }
0x5c: {  	_ =	shalt  }
0x5d: {  	_ =	shalt  }
0x5e: {  	_ =	shalt  }
0x5f: {  	_ =	shalt  }
0x60: {  	_ =	shalt  }
0x61: {  	_ =	shalt  }
0x62: {  	_ =	shalt  }
0x63: {  	_ =	shalt  }
0x64: {  	_ =	shalt  }
0x65: {  	_ =	shalt  }
0x66: {  	_ =	shalt  }
0x67: {  	_ =	shalt  }
0x68: {  	_ =	shalt  }
0x69: {  	_ =	shalt  }
0x6a: {  	_ =	shalt  }
0x6b: {  	_ =	shalt  }
0x6c: {  	_ =	shalt  }
0x6d: {  	_ =	shalt  }
0x6e: {  	_ =	shalt  }
0x6f: {  	_ =	shalt  }
0x70: {  	_ =	shalt  }
0x71: {  	_ =	shalt  }
0x72: {  	_ =	shalt  }
0x73: {  	_ =	shalt  }
0x74: {  	_ =	shalt  }
0x75: {  	_ =	shalt  }
0x76: {  	_ =	shalt  }
0x77: {  	_ =	shalt  }
0x78: {  	_ =	shalt  }
0x79: {  	_ =	shalt  }
0x7a: {  	_ =	shalt  }
0x7b: {  	_ =	shalt  }
0x7c: {  	_ =	shalt  }
0x7d: {  	_ =	shalt  }
0x7e: {  	_ =	shalt  }
0x7f: {  	_ =	shalt  }
0x80: {  	_ =	shalt  }
0x81: {  	_ =	shalt  }
0x82: {  	_ =	shalt  }
0x83: {  	_ =	shalt  }
0x84: {  	_ =	shalt  }
0x85: {  	_ =	shalt  }
0x86: {  	_ =	shalt  }
0x87: {  	_ =	shalt  }
.Lfunc_end0:
.L_simem_size_0:
called_computation.1_lowered:
.L_overlay_start_0:
0x88: {  	s2 =	sld [smem:$0x3FD9]  }
0x89: {  	s3 =	sld [smem:$0x3FFE];
	_ =	sdelay $0x1  }
0x8a: {  	s1 =	srdreg.scid  }
0x8b: {  	s0 =	sand.u32 $0x1, s1  }
0x8c: {  	s14 =	sshll.u32 s0, $0xA;
	s2 =	sadd.s32 s3, s2  }
0x8d: {  	s2 =	sadd.s32 s2, s14  }
0x8e: {  	[smem:$0x3FA7] =	sst s2  }
0x8f: {  	_ = 	snop  }
0x90: {  	s2 =	sld [smem:$0x3FD0];
	_ =	sdelay $0x2  }
0x91: {  	s15 =	simm.s32 $0xA;
	s4 =	simm.s32 $0x10  }
0x92: {  	[smem:s4], [sflag:s15] =	dma.local [hbm:s2], $0x1  }
0x93: {  	_ =	swait.eq [sflag:s15], $0x1  }
0x94: {  	[sflag:s15] =	ssyncset.done $0x0  }
0x95: {  	[sflag:s15] =	ssyncadd.s32 $0xFFFFFFFF  }
0x96: {  	s16 =	sld [smem:$0x11];
	(tm) =	ssettm $0x1  }
0x97: {  	s17 =	sld [smem:$0x3FFB];
	_ =	sdelay $0x3  }
0x98: {  	_ =	strace s17  }
0x99: {  	s3 =	sld [smem:$0x3FFC];
	_ =	sdelay $0x3  }
0x9a: {  	_ =	strace s3  }
0x9b: {  	s3 =	sld [smem:$0x3FFD];
	_ =	sdelay $0x3  }
0x9c: {  	_ =	strace s3  }
0x9d: {  	_ =	strace $0x8FFFFFFF  }
0x9e: {  	s18 =	sld [smem:$0x3FDB];
	_ =	sdelay $0x1  }
0x9f: {  	s19 =	simm.s32 $_scs_section_size  }
0xa0: {  	s5 =	simm.s32 $_size__tile_overlayer_lowered;
	s6 =	simm.s32 $_tile_overlayer_lowered  }
0xa1: {  	s22 =	simm.s32 $0x1BFF;
	s21 =	sshll.u32 s6, $0x1;
	s3 =	sadd.s32 s19, s18  }
0xa2: {  	s7 =	simm.s32 $0x0;
	s20 =	sshll.u32 s5, $0x1;
	s5 =	sadd.s32 s21, s3  }
0xa3: {  	[timem:s7], [sflag:s22] =	dma.local [hbm:s5], s20  }
0xa4: {  	_ =	swait.ge [sflag:s22], s20  }
0xa5: {  	s4 =	ssub.s32 $0x0, s20;
	[sflag:s22] =	ssyncset.done $0x0  }
0xa6: {  	[sflag:s22] =	ssyncadd.s32 s4;
	_ =	sdelay $0x1  }
0xa7: {  	s23 =	simm.s32 $0x1B8B  }
0xa8: {  	_ =	swait.ge [sflag:s23], $0x1  }
0xa9: {  	[sflag:s23] =	ssyncset.done $0x0  }
0xaa: {  	s25 =	simm.s32 $0x1B8E;
	s24 =	sld [smem:$0x3FFE];
	[sflag:s23] =	ssyncadd.s32 $0xFFFFFFFF  }
0xab: {  	s26 =	simm.s32 $execute0_lowered;
	[smem:$0x3FD2] =	sst s25  }
0xac: {  	s5 =	sshll.u32 s26, $0x1;
	_ =	strace $0x80000049;
	[dreg:$0x1] =	wrdreg $0xFFFFFFFF  }
0xad: {  	s28 =	simm.s32 $_size_execute0_lowered;
	s3 =	sadd.s32 s3, s5;
	[dreg:$0x0] =	wrdreg $0x0  }
0xae: {  	s5 =	sshll.u32 s28, $0x1;
	[dreg:$0x2] =	wrdreg s3  }
0xaf: {  	[dreg:$0x3] =	wrdreg s5  }
0xb0: {  	[dreg:$0x4] =	wrdreg $0xC0  }
0xb1: {  	_ =	task [dreg:s7], $0x5FFFF  }
0xb2: {  	[dreg:$0x1] =	wrdreg $0xFFFFFFFF  }
0xb3: {  	[dreg:$0x0] =	wrdreg $0x60  }
0xb4: {  	[dreg:$0x2] =	wrdreg s16  }
0xb5: {  	[dreg:$0x3] =	wrdreg s24  }
0xb6: {  	[dreg:$0x4] =	wrdreg $0x9  }
0xb7: {  	_ =	task.clear_ibuf [dreg:s7], $0x5FFFF;
	_ =	strace $0x90000049  }
0xb8: {  	s29 =	simm.s32 $0x9;
	_ =	strace $0x8000004B  }
0xb9: {  	_ =	swait.ge [sflag:s29], $0x1  }
0xba: {  	[sflag:s29] =	ssyncadd.s32 $0xFFFFFFFF  }
0xbb: {  	_ =	strace $0x9000004B  }
0xbc: {  	_ =	sfence  }
0xbd: {  	s30 =	sld [smem:$0x0];
	_ =	sdelay $0x2  }
0xbe: {  	s31 =	sshll.u32 s1, $0xD;
	s1 =	sshrl.u32 s1, $0x2  }
0xbf: {  	s3 =	sand.u32 $0x4000, s31;
	s1 =	sadd.s32 s1, s30  }
0xc0: {  	s0 =	sor.u32 s3, s0;
	s1 =	sshll.u32 s1, $0x11  }
0xc1: {  	s0 =	sor.u32 s1, s0  }
0xc2: {  	s0 =	sadd.s32 $0x8F2B, s0  }
0xc3: {  	[sflag:s0] =	ssyncadd.remote.s32 $0x1  }
0xc4: {  	_ =	sfence.sel $0xFFFF  }
0xc5: {  	[dreg:$0x0] =	wrdreg $0xFFFFFFFF;
	(pc) =	sbr.abs _section_cstart, $3  }
0xc6: {  	[dreg:$0x1] =	wrdreg $0xFFFFFFFF  }
0xc7: {  	_ =	task.clear_ibuf [dreg:s7], $0x2FFFF;
	_ =	strace $0x9FFFFFFF  }
0xc8: {  	(tm) =	ssettm $0x7FFFFFFF  }
0xc9: {  	_ =	shalt  }
tec
execute0_lowered:
.L_overlay_start_1:
0x0: {  	(tag) =	ssettag $0x1  }
0x1: {  	s1 =	srdreg.scid;
	s0 =	stileid.u32  }
0x2: {  	s2 =	rddreg [dreg:$0x0];
	s10 =	sand.u32 $0x1, s1;
	s29 =	sshll.u32 s0, $0x1  }
0x3: {  	s11 =	rddreg [dreg:$0x1];
	s12 =	sor.u32 s10, s29  }
0x4: {  	s3 =	simm.s32 $0x0;
	s1 =	rddreg [dreg:$0x2];
	s4 =	smul.u32 $0x12, s12  }
0x5: {  	[smem:$0x7FF] =	sst s3  }
0x6: {  	_ =	strace $0x8000004A;
	s5 =	sadd.s32 s11, s4;
	s4 =	simm.s32 $0x2  }
0x7: {  	[tilespmem:s3], [sflag:$0x2] =	stream.linear.gather [hbm4b:s5+s3], $0x90, $0x38;
	[tilespmem:$0x3690] =	vst v63  }
0x8: {  	_ =	swait.ge [sflag:s4], $0x90  }
0x9: {  	[sflag:s4] =	ssyncset.done $0x0  }
0xa: {  	s6 =	simm.s32 $0x48;
	s7 =	simm.s32 $0x90;
	[sflag:s4] =	ssyncadd.s32 $0xFFFFFF70  }
0xb: {  	[tilespmem:s7], [sflag:$0x1] =	stream.indirect.gather [hbm4b:s2+s6], $0x60, s3, s6, $0xb8;
	[tilespmem:$0x3690] =	vst v63  }
0xc: {  	s8 =	simm.s32 $0x1B90;
	s9 =	simm.s32 $0x1;
	s10 =	ssub.s32 $0x2, s10  }
0xd: {  	[tilespmem:s8], [sflag:$0x1] =	stream.indirect.gather [hbm4b:s2+s6], $0x60, s6, s6, $0xb8;
	[tilespmem:$0x3690] =	vst v63  }
0xe: {  	s13 =	sshrl.u32 s10, $0x1;
	_ =	swait.ge [sflag:s9], $0x1B00  }
0xf: {  	s30 =	ssub.s32 s10, s13;
	[sflag:s9] =	ssyncset.done $0x0  }
0x10: {  	s12 =	smul.u32 $0x6C0, s12;
	s31 =	smax.u32 s30, $0x1;
	[sflag:s9] =	ssyncadd.s32 $0xFFFFE500  }
0x11: {  	p0 =	sne.s32 s31, $0x1;
	_ =	swait.ge [sflag:s9], $0x1B00  }
.Ltmp0:
0x12: {  	s11 =	sadd.s32 s12, s11;
	[sflag:s9] =	ssyncset.done $0x0;
	(pc) =	sbr.rel @!p0 .LBB2_2-.Ltmp0, $4  }
0x13: {  	s10 =	sadd.s32 $0x400, s11;
	[sflag:s9] =	ssyncadd.s32 $0xFFFFE500  }
0x14: {  	[hbm4b:s10+s3] =	stream.linear.scatter [tilespmem:s7], [sflag:$0x2], $0x3600, $0x38;
	[tilespmem:$0x3690] =	vst v63  }
0x15: {  	_ =	swait.ge [sflag:s4], $0x3600  }
0x16: {  	s11 =	sadd.s32 $0xFFFFFFFF, s31;
	[sflag:s4] =	ssyncset.done $0x0  }
.LBB2_1:
0x17: {  	p0 =	sne.s32 s11, $0x1;
	s11 =	sadd.s32 $0xFFFFFFFF, s11;
	[sflag:s4] =	ssyncadd.s32 $0xFFFFCA00  }
0x18: {  	[tilespmem:s3], [sflag:$0x2] =	stream.linear.gather [hbm4b:s5+s3], $0x90, $0x38;
	[tilespmem:$0x3690] =	vst v63  }
0x19: {  	_ =	swait.ge [sflag:s4], $0x90  }
0x1a: {  	[sflag:s4] =	ssyncset.done $0x0  }
0x1b: {  	[sflag:s4] =	ssyncadd.s32 $0xFFFFFF70  }
0x1c: {  	[tilespmem:s7], [sflag:$0x1] =	stream.indirect.gather [hbm4b:s2+s6], $0x60, s3, s6, $0xb8;
	[tilespmem:$0x3690] =	vst v63  }
0x1d: {  	_ = 	snop  }
0x1e: {  	[tilespmem:s8], [sflag:$0x1] =	stream.indirect.gather [hbm4b:s2+s6], $0x60, s6, s6, $0xb8;
	[tilespmem:$0x3690] =	vst v63  }
0x1f: {  	_ =	swait.ge [sflag:s9], $0x1B00  }
0x20: {  	[sflag:s9] =	ssyncset.done $0x0  }
0x21: {  	[sflag:s9] =	ssyncadd.s32 $0xFFFFE500  }
0x22: {  	_ =	swait.ge [sflag:s9], $0x1B00  }
.Ltmp1:
0x23: {  	[sflag:s9] =	ssyncset.done $0x0;
	(pc) =	sbr.rel @p0 .LBB2_1-.Ltmp1, $4  }
0x24: {  	[sflag:s9] =	ssyncadd.s32 $0xFFFFE500  }
0x25: {  	[hbm4b:s10+s3] =	stream.linear.scatter [tilespmem:s7], [sflag:$0x2], $0x3600, $0x38;
	[tilespmem:$0x3690] =	vst v63  }
0x26: {  	_ =	swait.ge [sflag:s4], $0x3600  }
0x27: {  	[sflag:s4] =	ssyncset.done $0x0  }
.LBB2_2:
0x28: {  	[sflag:s4] =	ssyncadd.s32 $0xFFFFCA00  }
0x29: {  	_ =	sfence.sel $0x180000  }
0x2a: {  	[bflag:$0x0] =	sbarrier.arrive $0xFFFF  }
0x2b: {  	p0 =	sne.s32 s0, $0x0;
	_ =	strace $0x9000004A  }
0x2c: {  	s0 =	sadd.s32 @!p0 $0x100000, s1;
	[bflag:$0x2] =	sbarrier.arrive $0xFFFF  }
0x2d: {  	[sflag:s0] =	ssyncadd.tile.s32 @!p0 $0x1;
	_ =	shalt  }
.Lfunc_end2:
_tile_overlayer_lowered:
.L_overlay_start_2:
0x2e: {  	(tag) =	ssettag $0x2  }
0x2f: {  	s0 =	rddreg [dreg:$0x0];
	s2 =	stileid.u32  }
0x30: {  	s1 =	rddreg [dreg:$0x1];
	p0 =	sne.s32 s2, $0x0  }
0x31: {  	s3 =	rddreg [dreg:$0x2];
	[bflag:$0x3] =	sbarrier.arrive $0xFFFF;
	s2 =	simm.s32 @!p0 $0x1C02  }
0x32: {  	[timem:s3], [sflag:s2] =	dma.local @!p0 [hbm:s0], s1  }
0x33: {  	s0 =	simm.s32 @!p0 $0x2  }
0x34: {  	_ =	swait.ge @!p0 [sflag:s0], s1  }
0x35: {  	s1 =	ssub.s32 @!p0 $0x0, s1;
	[sflag:s0] =	ssyncset.done @!p0 $0x0  }
0x36: {  	[sflag:s0] =	ssyncadd.s32 @!p0 s1  }
0x37: {  	[bflag:$0x3] =	sbarrier.arrive $0xFFFF  }
0x38: {  	_ =	shalt  }

</sc_bundles>
